<compile_context>
chip_gen: v7x
topology: tpu7x:2x2x1
jax: 0.10.2.dev20260603
libtpu: 0.0.44.dev20260713+nightly
codegen_flags: <defaults>
</compile_context>

<pallas_src>
import functools

import jax
import jax.numpy as jnp
from jax import lax
from jax.experimental import pallas as pl
from jax.experimental.pallas import tpu as pltpu
from jax.experimental.pallas import tpu_sc as plsc

M = 32768
K = 256
NE = 8192
BM = 2048
BN = 1024
BETA = 0.25

_NC = 2
_NS = 16
_NW = _NC * _NS
_BPW = M // _NW
_CH = 128
_NCH = _BPW // _CH


def _dist_argmin_kernel(z_ref, emb_ref, e2_ref, idx_ref, loss_ref):
    pid = pl.program_id(0)
    z = z_ref[...]
    zd = z + z
    z2 = jnp.sum(z * z, axis=1, keepdims=True)

    best_d = jnp.full((BM, 1), jnp.inf, dtype=jnp.float32)
    best_i = jnp.zeros((BM, 1), dtype=jnp.float32)
    iota_f = lax.broadcasted_iota(jnp.int32, (BM, BN), 1).astype(jnp.float32)
    for c in range(NE // BN):
        e = emb_ref[pl.ds(c * BN, BN), :]
        s2 = lax.dot_general(zd, e, (((1,), (1,)), ((), ())),
                             preferred_element_type=jnp.float32)
        e2 = e2_ref[:, pl.ds(c * BN, BN)]
        d = (z2 - s2) + e2
        m = jnp.min(d, axis=1, keepdims=True)
        cand = jnp.min(jnp.where(d == m, iota_f, float(NE)), axis=1, keepdims=True)
        cand = cand + float(c * BN)
        take = m < best_d
        best_i = jnp.where(take, cand, best_i)
        best_d = jnp.where(take, m, best_d)

    idx_ref[...] = best_i.astype(jnp.int32)

    @pl.when(pid == 0)
    def _():
        loss_ref[0, 0] = 0.0

    loss_ref[0, 0] += jnp.sum(best_d)

    @pl.when(pid == pl.num_programs(0) - 1)
    def _():
        loss_ref[0, 0] = loss_ref[0, 0] * ((1.0 + BETA) / (M * K))


def _dist_argmin(z, emb, e2):
    grid = (M // BM,)
    return pl.pallas_call(
        _dist_argmin_kernel,
        grid=grid,
        in_specs=[
            pl.BlockSpec((BM, K), lambda m: (m, 0)),
            pl.BlockSpec((NE, K), lambda m: (0, 0)),
            pl.BlockSpec((1, NE), lambda m: (0, 0)),
        ],
        out_specs=[
            pl.BlockSpec((BM, 1), lambda m: (m, 0)),
            pl.BlockSpec((1, 1), lambda m: (0, 0), memory_space=pltpu.SMEM),
        ],
        out_shape=[
            jax.ShapeDtypeStruct((M, 1), jnp.int32),
            jax.ShapeDtypeStruct((1, 1), jnp.float32),
        ],
    )(z, emb, e2)


@functools.cache
def _make_gather_kernel():
    mesh = plsc.VectorSubcoreMesh(core_axis_name="c", subcore_axis_name="s")

    @functools.partial(
        pl.kernel,
        mesh=mesh,
        out_type=jax.ShapeDtypeStruct((M, K), jnp.float32),
        scratch_types=[
            pltpu.VMEM((_CH,), jnp.int32),
            pltpu.VMEM((_CH,), jnp.int32),
            pltpu.VMEM((_CH, K), jnp.float32),
            pltpu.VMEM((_CH, K), jnp.float32),
            pltpu.SemaphoreType.DMA,
            pltpu.SemaphoreType.DMA,
        ],
    )
    def gather_kernel(emb_hbm, idx_hbm, out_hbm,
                      idx_a, idx_b, rows_a, rows_b, sem_a, sem_b):
        wid = lax.axis_index("s") * _NC + lax.axis_index("c")
        base = wid * _BPW
        idx_bufs = (idx_a, idx_b)
        row_bufs = (rows_a, rows_b)
        sems = (sem_a, sem_b)
        prev = None
        for c in range(_NCH):
            b = c % 2
            pltpu.sync_copy(idx_hbm.at[pl.ds(base + c * _CH, _CH)], idx_bufs[b])
            cur = pltpu.async_copy(emb_hbm.at[idx_bufs[b]], row_bufs[b], sems[b])
            if prev is not None:
                prev.wait()
                pltpu.sync_copy(row_bufs[1 - b],
                                out_hbm.at[pl.ds(base + (c - 1) * _CH, _CH)])
            prev = cur
        prev.wait()
        pltpu.sync_copy(row_bufs[(_NCH - 1) % 2],
                        out_hbm.at[pl.ds(base + (_NCH - 1) * _CH, _CH)])

    return gather_kernel


def kernel(z, emb):
    e2 = jnp.sum(emb ** 2, axis=1)[None, :]
    idx2d, loss2d = _dist_argmin(z, emb, e2)
    indices = idx2d.reshape(M)
    z_q = _make_gather_kernel()(emb, indices)
    return (z_q, loss2d[0, 0])

# --- scband reference (transcript-rebuilt; emitter-appended) ---
"""Pipeline reference for scband-vector-quantizer-37993280701197 (READ-ONLY COPY).

The authoritative reference and input builder live on the scoring server;
editing this copy changes nothing except your own understanding.
"""

import jax, jax.numpy as jnp
import numpy as np

NUM_EMBEDDINGS = 8192
EMBEDDING_DIM = 256
BETA = 0.25


def setup_inputs(seed: int = 0) -> dict:
    key = jax.random.key(seed)
    k1, k2 = jax.random.split(key)
    z = jax.random.normal(k1, (32768, EMBEDDING_DIM), dtype=jnp.float32)
    # embedding initialized uniform(-1/K, 1/K) like the torch module
    emb = jax.random.uniform(k2, (NUM_EMBEDDINGS, EMBEDDING_DIM), dtype=jnp.float32,
                             minval=-1.0 / NUM_EMBEDDINGS, maxval=1.0 / NUM_EMBEDDINGS)
    return {"z": z, "emb": emb}


def reference(z, emb):
    z_flat = z.reshape(-1, z.shape[-1])
    distances = (jnp.sum(z_flat ** 2, axis=1, keepdims=True)
                 - 2.0 * z_flat @ emb.T
                 + jnp.sum(emb ** 2, axis=1))
    indices = jnp.argmin(distances, axis=1)
    z_q = jnp.take(emb, indices, axis=0).reshape(z.shape)
    loss = (jnp.mean((jax.lax.stop_gradient(z_q) - z) ** 2) * BETA
            + jnp.mean((z_q - jax.lax.stop_gradient(z)) ** 2))
    z_q_out = z + jax.lax.stop_gradient(z_q - z)
    return (z_q_out, loss)

if __name__ == "__main__":
    import jax
    _d = setup_inputs()
    print(jax.jit(kernel)(*tuple(_d.values())))

</pallas_src>

<mosaic_0001>
#map = affine_map<(d0, d1) -> (0, 0)>
#map1 = affine_map<(d0, d1) -> (0)>
module attributes {stable_mosaic.version = 14 : i64} {
  func.func @gather_kernel(%arg0: i32, %arg1: i32, %arg2: memref<8192x256xf32, #tpu.memory_space<hbm>>, %arg3: memref<32768xi32, #tpu.memory_space<hbm>>, %arg4: memref<32768x256xf32, #tpu.memory_space<hbm>>, %arg5: memref<128xi32, #tpu.memory_space<vmem>>, %arg6: memref<128xi32, #tpu.memory_space<vmem>>, %arg7: memref<128x256xf32, #tpu.memory_space<vmem>>, %arg8: memref<128x256xf32, #tpu.memory_space<vmem>>, %arg9: memref<!tpu.dma_semaphore, #tpu.memory_space<semaphore_mem>>, %arg10: memref<!tpu.dma_semaphore, #tpu.memory_space<semaphore_mem>>) attributes {dimension_semantics = [#tpu.dimension_semantics<core_parallel>, #tpu.dimension_semantics<subcore_parallel>], iteration_bounds = array<i64: 2, 16>, scalar_prefetch = 0 : i64, scratch_operands = 6 : i64, tpu.core_type = #tpu.core_type<sc_vector_subcore>, window_params = [{transform_indices = #map}, {transform_indices = #map1}, {transform_indices = #map}]} {
    %mul3A = arith.constant 2 : i32
    %mul3A_0 = arith.muli %arg1, %mul3A : i32
    %add3A = arith.addi %mul3A_0, %arg0 : i32
    %mul3A_1 = arith.constant 1024 : i32
    %mul3A_2 = arith.muli %add3A, %mul3A_1 : i32
    %add3A_3 = arith.constant 0 : i32
    %add3A_4 = arith.addi %mul3A_2, %add3A_3 : i32
    "tpu.region"() ({
      %run_scoped3A = tpu.sem_alloc : memref<!tpu.dma_semaphore, #tpu.memory_space<semaphore_mem>>
      %dma_start3A_81 = tpu.memref_slice %arg3[%add3A_4] : memref<32768xi32, #tpu.memory_space<hbm>> -> memref<128xi32, #tpu.memory_space<hbm>>
      %dma_start3A_82 = tpu.memref_slice %arg3[%add3A_4] : memref<32768xi32, #tpu.memory_space<hbm>> -> memref<128xi32, #tpu.memory_space<hbm>>
      tpu.enqueue_dma source(%dma_start3A_82 : memref<128xi32, #tpu.memory_space<hbm>>) target(%arg5 : memref<128xi32, #tpu.memory_space<vmem>>) target_semaphore(%run_scoped3A : memref<!tpu.dma_semaphore, #tpu.memory_space<semaphore_mem>>)
      %dma_wait3A_83 = tpu.memref_slice %arg3[%add3A_4] : memref<32768xi32, #tpu.memory_space<hbm>> -> memref<128xi32, #tpu.memory_space<hbm>>
      %dma_wait3A_84 = tpu.memref_slice %arg3[%add3A_4] : memref<32768xi32, #tpu.memory_space<hbm>> -> memref<128xi32, #tpu.memory_space<hbm>>
      tpu.wait_dma2 semaphore(%run_scoped3A : memref<!tpu.dma_semaphore, #tpu.memory_space<semaphore_mem>>) src(%dma_wait3A_84 : memref<128xi32, #tpu.memory_space<hbm>>) dst(%arg5 : memref<128xi32, #tpu.memory_space<vmem>>)
      tpu.yield
    }) : () -> ()
    %dma_start3A = arith.constant 0 : i32
    %dma_start3A_5 = arith.constant 0 : i32
    %dma_start3A_6 = tpu.memref_slice %arg2[%dma_start3A, %dma_start3A_5] : memref<8192x256xf32, #tpu.memory_space<hbm>> -> memref<8192x256xf32, #tpu.memory_space<hbm>>
    tpu.enqueue_indirect_dma source(%dma_start3A_6 : memref<8192x256xf32, #tpu.memory_space<hbm>>) target(%arg7 : memref<128x256xf32, #tpu.memory_space<vmem>>) offsets(%arg5 : memref<128xi32, #tpu.memory_space<vmem>>) semaphore(%arg9 : memref<!tpu.dma_semaphore, #tpu.memory_space<semaphore_mem>>)
    %add3A_7 = arith.constant 128 : i32
    %add3A_8 = arith.addi %mul3A_2, %add3A_7 : i32
    "tpu.region"() ({
      %run_scoped3A = tpu.sem_alloc : memref<!tpu.dma_semaphore, #tpu.memory_space<semaphore_mem>>
      %dma_start3A_81 = tpu.memref_slice %arg3[%add3A_8] : memref<32768xi32, #tpu.memory_space<hbm>> -> memref<128xi32, #tpu.memory_space<hbm>>
      %dma_start3A_82 = tpu.memref_slice %arg3[%add3A_8] : memref<32768xi32, #tpu.memory_space<hbm>> -> memref<128xi32, #tpu.memory_space<hbm>>
      tpu.enqueue_dma source(%dma_start3A_82 : memref<128xi32, #tpu.memory_space<hbm>>) target(%arg6 : memref<128xi32, #tpu.memory_space<vmem>>) target_semaphore(%run_scoped3A : memref<!tpu.dma_semaphore, #tpu.memory_space<semaphore_mem>>)
      %dma_wait3A_83 = tpu.memref_slice %arg3[%add3A_8] : memref<32768xi32, #tpu.memory_space<hbm>> -> memref<128xi32, #tpu.memory_space<hbm>>
      %dma_wait3A_84 = tpu.memref_slice %arg3[%add3A_8] : memref<32768xi32, #tpu.memory_space<hbm>> -> memref<128xi32, #tpu.memory_space<hbm>>
      tpu.wait_dma2 semaphore(%run_scoped3A : memref<!tpu.dma_semaphore, #tpu.memory_space<semaphore_mem>>) src(%dma_wait3A_84 : memref<128xi32, #tpu.memory_space<hbm>>) dst(%arg6 : memref<128xi32, #tpu.memory_space<vmem>>)
      tpu.yield
    }) : () -> ()
    %dma_start3A_9 = arith.constant 0 : i32
    %dma_start3A_10 = arith.constant 0 : i32
    %dma_start3A_11 = tpu.memref_slice %arg2[%dma_start3A_9, %dma_start3A_10] : memref<8192x256xf32, #tpu.memory_space<hbm>> -> memref<8192x256xf32, #tpu.memory_space<hbm>>
    tpu.enqueue_indirect_dma source(%dma_start3A_11 : memref<8192x256xf32, #tpu.memory_space<hbm>>) target(%arg8 : memref<128x256xf32, #tpu.memory_space<vmem>>) offsets(%arg6 : memref<128xi32, #tpu.memory_space<vmem>>) semaphore(%arg10 : memref<!tpu.dma_semaphore, #tpu.memory_space<semaphore_mem>>)
    %dma_wait3A = arith.constant 0 : i32
    %dma_wait3A_12 = arith.constant 0 : i32
    %dma_wait3A_13 = tpu.memref_slice %arg2[%dma_wait3A, %dma_wait3A_12] : memref<8192x256xf32, #tpu.memory_space<hbm>> -> memref<8192x256xf32, #tpu.memory_space<hbm>>
    tpu.wait_indirect_dma semaphore(%arg9 : memref<!tpu.dma_semaphore, #tpu.memory_space<semaphore_mem>>) src(%dma_wait3A_13 : memref<8192x256xf32, #tpu.memory_space<hbm>>) dst(%arg7 : memref<128x256xf32, #tpu.memory_space<vmem>>)
    %add3A_14 = arith.constant 0 : i32
    %add3A_15 = arith.addi %mul3A_2, %add3A_14 : i32
    "tpu.region"() ({
      %run_scoped3A = tpu.sem_alloc : memref<!tpu.dma_semaphore, #tpu.memory_space<semaphore_mem>>
      %dma_start3A_81 = arith.constant 0 : i32
      %dma_start3A_82 = tpu.memref_slice %arg4[%add3A_15, %dma_start3A_81] : memref<32768x256xf32, #tpu.memory_space<hbm>> -> memref<128x256xf32, #tpu.memory_space<hbm>>
      %dma_start3A_83 = arith.constant 0 : i32
      %dma_start3A_84 = tpu.memref_slice %arg4[%add3A_15, %dma_start3A_83] : memref<32768x256xf32, #tpu.memory_space<hbm>> -> memref<128x256xf32, #tpu.memory_space<hbm>>
      tpu.enqueue_dma source(%arg7 : memref<128x256xf32, #tpu.memory_space<vmem>>) target(%dma_start3A_84 : memref<128x256xf32, #tpu.memory_space<hbm>>) target_semaphore(%run_scoped3A : memref<!tpu.dma_semaphore, #tpu.memory_space<semaphore_mem>>)
      %dma_wait3A_85 = arith.constant 0 : i32
      %dma_wait3A_86 = tpu.memref_slice %arg4[%add3A_15, %dma_wait3A_85] : memref<32768x256xf32, #tpu.memory_space<hbm>> -> memref<128x256xf32, #tpu.memory_space<hbm>>
      %dma_wait3A_87 = arith.constant 0 : i32
      %dma_wait3A_88 = tpu.memref_slice %arg4[%add3A_15, %dma_wait3A_87] : memref<32768x256xf32, #tpu.memory_space<hbm>> -> memref<128x256xf32, #tpu.memory_space<hbm>>
      tpu.wait_dma2 semaphore(%run_scoped3A : memref<!tpu.dma_semaphore, #tpu.memory_space<semaphore_mem>>) src(%arg7 : memref<128x256xf32, #tpu.memory_space<vmem>>) dst(%dma_wait3A_88 : memref<128x256xf32, #tpu.memory_space<hbm>>)
      tpu.yield
    }) : () -> ()
    %add3A_16 = arith.constant 256 : i32
    %add3A_17 = arith.addi %mul3A_2, %add3A_16 : i32
    "tpu.region"() ({
      %run_scoped3A = tpu.sem_alloc : memref<!tpu.dma_semaphore, #tpu.memory_space<semaphore_mem>>
      %dma_start3A_81 = tpu.memref_slice %arg3[%add3A_17] : memref<32768xi32, #tpu.memory_space<hbm>> -> memref<128xi32, #tpu.memory_space<hbm>>
      %dma_start3A_82 = tpu.memref_slice %arg3[%add3A_17] : memref<32768xi32, #tpu.memory_space<hbm>> -> memref<128xi32, #tpu.memory_space<hbm>>
      tpu.enqueue_dma source(%dma_start3A_82 : memref<128xi32, #tpu.memory_space<hbm>>) target(%arg5 : memref<128xi32, #tpu.memory_space<vmem>>) target_semaphore(%run_scoped3A : memref<!tpu.dma_semaphore, #tpu.memory_space<semaphore_mem>>)
      %dma_wait3A_83 = tpu.memref_slice %arg3[%add3A_17] : memref<32768xi32, #tpu.memory_space<hbm>> -> memref<128xi32, #tpu.memory_space<hbm>>
      %dma_wait3A_84 = tpu.memref_slice %arg3[%add3A_17] : memref<32768xi32, #tpu.memory_space<hbm>> -> memref<128xi32, #tpu.memory_space<hbm>>
      tpu.wait_dma2 semaphore(%run_scoped3A : memref<!tpu.dma_semaphore, #tpu.memory_space<semaphore_mem>>) src(%dma_wait3A_84 : memref<128xi32, #tpu.memory_space<hbm>>) dst(%arg5 : memref<128xi32, #tpu.memory_space<vmem>>)
      tpu.yield
    }) : () -> ()
    %dma_start3A_18 = arith.constant 0 : i32
    %dma_start3A_19 = arith.constant 0 : i32
    %dma_start3A_20 = tpu.memref_slice %arg2[%dma_start3A_18, %dma_start3A_19] : memref<8192x256xf32, #tpu.memory_space<hbm>> -> memref<8192x256xf32, #tpu.memory_space<hbm>>
    tpu.enqueue_indirect_dma source(%dma_start3A_20 : memref<8192x256xf32, #tpu.memory_space<hbm>>) target(%arg7 : memref<128x256xf32, #tpu.memory_space<vmem>>) offsets(%arg5 : memref<128xi32, #tpu.memory_space<vmem>>) semaphore(%arg9 : memref<!tpu.dma_semaphore, #tpu.memory_space<semaphore_mem>>)
    %dma_wait3A_21 = arith.constant 0 : i32
    %dma_wait3A_22 = arith.constant 0 : i32
    %dma_wait3A_23 = tpu.memref_slice %arg2[%dma_wait3A_21, %dma_wait3A_22] : memref<8192x256xf32, #tpu.memory_space<hbm>> -> memref<8192x256xf32, #tpu.memory_space<hbm>>
    tpu.wait_indirect_dma semaphore(%arg10 : memref<!tpu.dma_semaphore, #tpu.memory_space<semaphore_mem>>) src(%dma_wait3A_23 : memref<8192x256xf32, #tpu.memory_space<hbm>>) dst(%arg8 : memref<128x256xf32, #tpu.memory_space<vmem>>)
    %add3A_24 = arith.constant 128 : i32
    %add3A_25 = arith.addi %mul3A_2, %add3A_24 : i32
    "tpu.region"() ({
      %run_scoped3A = tpu.sem_alloc : memref<!tpu.dma_semaphore, #tpu.memory_space<semaphore_mem>>
      %dma_start3A_81 = arith.constant 0 : i32
      %dma_start3A_82 = tpu.memref_slice %arg4[%add3A_25, %dma_start3A_81] : memref<32768x256xf32, #tpu.memory_space<hbm>> -> memref<128x256xf32, #tpu.memory_space<hbm>>
      %dma_start3A_83 = arith.constant 0 : i32
      %dma_start3A_84 = tpu.memref_slice %arg4[%add3A_25, %dma_start3A_83] : memref<32768x256xf32, #tpu.memory_space<hbm>> -> memref<128x256xf32, #tpu.memory_space<hbm>>
      tpu.enqueue_dma source(%arg8 : memref<128x256xf32, #tpu.memory_space<vmem>>) target(%dma_start3A_84 : memref<128x256xf32, #tpu.memory_space<hbm>>) target_semaphore(%run_scoped3A : memref<!tpu.dma_semaphore, #tpu.memory_space<semaphore_mem>>)
      %dma_wait3A_85 = arith.constant 0 : i32
      %dma_wait3A_86 = tpu.memref_slice %arg4[%add3A_25, %dma_wait3A_85] : memref<32768x256xf32, #tpu.memory_space<hbm>> -> memref<128x256xf32, #tpu.memory_space<hbm>>
      %dma_wait3A_87 = arith.constant 0 : i32
      %dma_wait3A_88 = tpu.memref_slice %arg4[%add3A_25, %dma_wait3A_87] : memref<32768x256xf32, #tpu.memory_space<hbm>> -> memref<128x256xf32, #tpu.memory_space<hbm>>
      tpu.wait_dma2 semaphore(%run_scoped3A : memref<!tpu.dma_semaphore, #tpu.memory_space<semaphore_mem>>) src(%arg8 : memref<128x256xf32, #tpu.memory_space<vmem>>) dst(%dma_wait3A_88 : memref<128x256xf32, #tpu.memory_space<hbm>>)
      tpu.yield
    }) : () -> ()
    %add3A_26 = arith.constant 384 : i32
    %add3A_27 = arith.addi %mul3A_2, %add3A_26 : i32
    "tpu.region"() ({
      %run_scoped3A = tpu.sem_alloc : memref<!tpu.dma_semaphore, #tpu.memory_space<semaphore_mem>>
      %dma_start3A_81 = tpu.memref_slice %arg3[%add3A_27] : memref<32768xi32, #tpu.memory_space<hbm>> -> memref<128xi32, #tpu.memory_space<hbm>>
      %dma_start3A_82 = tpu.memref_slice %arg3[%add3A_27] : memref<32768xi32, #tpu.memory_space<hbm>> -> memref<128xi32, #tpu.memory_space<hbm>>
      tpu.enqueue_dma source(%dma_start3A_82 : memref<128xi32, #tpu.memory_space<hbm>>) target(%arg6 : memref<128xi32, #tpu.memory_space<vmem>>) target_semaphore(%run_scoped3A : memref<!tpu.dma_semaphore, #tpu.memory_space<semaphore_mem>>)
      %dma_wait3A_83 = tpu.memref_slice %arg3[%add3A_27] : memref<32768xi32, #tpu.memory_space<hbm>> -> memref<128xi32, #tpu.memory_space<hbm>>
      %dma_wait3A_84 = tpu.memref_slice %arg3[%add3A_27] : memref<32768xi32, #tpu.memory_space<hbm>> -> memref<128xi32, #tpu.memory_space<hbm>>
      tpu.wait_dma2 semaphore(%run_scoped3A : memref<!tpu.dma_semaphore, #tpu.memory_space<semaphore_mem>>) src(%dma_wait3A_84 : memref<128xi32, #tpu.memory_space<hbm>>) dst(%arg6 : memref<128xi32, #tpu.memory_space<vmem>>)
      tpu.yield
    }) : () -> ()
    %dma_start3A_28 = arith.constant 0 : i32
    %dma_start3A_29 = arith.constant 0 : i32
    %dma_start3A_30 = tpu.memref_slice %arg2[%dma_start3A_28, %dma_start3A_29] : memref<8192x256xf32, #tpu.memory_space<hbm>> -> memref<8192x256xf32, #tpu.memory_space<hbm>>
    tpu.enqueue_indirect_dma source(%dma_start3A_30 : memref<8192x256xf32, #tpu.memory_space<hbm>>) target(%arg8 : memref<128x256xf32, #tpu.memory_space<vmem>>) offsets(%arg6 : memref<128xi32, #tpu.memory_space<vmem>>) semaphore(%arg10 : memref<!tpu.dma_semaphore, #tpu.memory_space<semaphore_mem>>)
    %dma_wait3A_31 = arith.constant 0 : i32
    %dma_wait3A_32 = arith.constant 0 : i32
    %dma_wait3A_33 = tpu.memref_slice %arg2[%dma_wait3A_31, %dma_wait3A_32] : memref<8192x256xf32, #tpu.memory_space<hbm>> -> memref<8192x256xf32, #tpu.memory_space<hbm>>
    tpu.wait_indirect_dma semaphore(%arg9 : memref<!tpu.dma_semaphore, #tpu.memory_space<semaphore_mem>>) src(%dma_wait3A_33 : memref<8192x256xf32, #tpu.memory_space<hbm>>) dst(%arg7 : memref<128x256xf32, #tpu.memory_space<vmem>>)
    %add3A_34 = arith.constant 256 : i32
    %add3A_35 = arith.addi %mul3A_2, %add3A_34 : i32
    "tpu.region"() ({
      %run_scoped3A = tpu.sem_alloc : memref<!tpu.dma_semaphore, #tpu.memory_space<semaphore_mem>>
      %dma_start3A_81 = arith.constant 0 : i32
      %dma_start3A_82 = tpu.memref_slice %arg4[%add3A_35, %dma_start3A_81] : memref<32768x256xf32, #tpu.memory_space<hbm>> -> memref<128x256xf32, #tpu.memory_space<hbm>>
      %dma_start3A_83 = arith.constant 0 : i32
      %dma_start3A_84 = tpu.memref_slice %arg4[%add3A_35, %dma_start3A_83] : memref<32768x256xf32, #tpu.memory_space<hbm>> -> memref<128x256xf32, #tpu.memory_space<hbm>>
      tpu.enqueue_dma source(%arg7 : memref<128x256xf32, #tpu.memory_space<vmem>>) target(%dma_start3A_84 : memref<128x256xf32, #tpu.memory_space<hbm>>) target_semaphore(%run_scoped3A : memref<!tpu.dma_semaphore, #tpu.memory_space<semaphore_mem>>)
      %dma_wait3A_85 = arith.constant 0 : i32
      %dma_wait3A_86 = tpu.memref_slice %arg4[%add3A_35, %dma_wait3A_85] : memref<32768x256xf32, #tpu.memory_space<hbm>> -> memref<128x256xf32, #tpu.memory_space<hbm>>
      %dma_wait3A_87 = arith.constant 0 : i32
      %dma_wait3A_88 = tpu.memref_slice %arg4[%add3A_35, %dma_wait3A_87] : memref<32768x256xf32, #tpu.memory_space<hbm>> -> memref<128x256xf32, #tpu.memory_space<hbm>>
      tpu.wait_dma2 semaphore(%run_scoped3A : memref<!tpu.dma_semaphore, #tpu.memory_space<semaphore_mem>>) src(%arg7 : memref<128x256xf32, #tpu.memory_space<vmem>>) dst(%dma_wait3A_88 : memref<128x256xf32, #tpu.memory_space<hbm>>)
      tpu.yield
    }) : () -> ()
    %add3A_36 = arith.constant 512 : i32
    %add3A_37 = arith.addi %mul3A_2, %add3A_36 : i32
    "tpu.region"() ({
      %run_scoped3A = tpu.sem_alloc : memref<!tpu.dma_semaphore, #tpu.memory_space<semaphore_mem>>
      %dma_start3A_81 = tpu.memref_slice %arg3[%add3A_37] : memref<32768xi32, #tpu.memory_space<hbm>> -> memref<128xi32, #tpu.memory_space<hbm>>
      %dma_start3A_82 = tpu.memref_slice %arg3[%add3A_37] : memref<32768xi32, #tpu.memory_space<hbm>> -> memref<128xi32, #tpu.memory_space<hbm>>
      tpu.enqueue_dma source(%dma_start3A_82 : memref<128xi32, #tpu.memory_space<hbm>>) target(%arg5 : memref<128xi32, #tpu.memory_space<vmem>>) target_semaphore(%run_scoped3A : memref<!tpu.dma_semaphore, #tpu.memory_space<semaphore_mem>>)
      %dma_wait3A_83 = tpu.memref_slice %arg3[%add3A_37] : memref<32768xi32, #tpu.memory_space<hbm>> -> memref<128xi32, #tpu.memory_space<hbm>>
      %dma_wait3A_84 = tpu.memref_slice %arg3[%add3A_37] : memref<32768xi32, #tpu.memory_space<hbm>> -> memref<128xi32, #tpu.memory_space<hbm>>
      tpu.wait_dma2 semaphore(%run_scoped3A : memref<!tpu.dma_semaphore, #tpu.memory_space<semaphore_mem>>) src(%dma_wait3A_84 : memref<128xi32, #tpu.memory_space<hbm>>) dst(%arg5 : memref<128xi32, #tpu.memory_space<vmem>>)
      tpu.yield
    }) : () -> ()
    %dma_start3A_38 = arith.constant 0 : i32
    %dma_start3A_39 = arith.constant 0 : i32
    %dma_start3A_40 = tpu.memref_slice %arg2[%dma_start3A_38, %dma_start3A_39] : memref<8192x256xf32, #tpu.memory_space<hbm>> -> memref<8192x256xf32, #tpu.memory_space<hbm>>
    tpu.enqueue_indirect_dma source(%dma_start3A_40 : memref<8192x256xf32, #tpu.memory_space<hbm>>) target(%arg7 : memref<128x256xf32, #tpu.memory_space<vmem>>) offsets(%arg5 : memref<128xi32, #tpu.memory_space<vmem>>) semaphore(%arg9 : memref<!tpu.dma_semaphore, #tpu.memory_space<semaphore_mem>>)
    %dma_wait3A_41 = arith.constant 0 : i32
    %dma_wait3A_42 = arith.constant 0 : i32
    %dma_wait3A_43 = tpu.memref_slice %arg2[%dma_wait3A_41, %dma_wait3A_42] : memref<8192x256xf32, #tpu.memory_space<hbm>> -> memref<8192x256xf32, #tpu.memory_space<hbm>>
    tpu.wait_indirect_dma semaphore(%arg10 : memref<!tpu.dma_semaphore, #tpu.memory_space<semaphore_mem>>) src(%dma_wait3A_43 : memref<8192x256xf32, #tpu.memory_space<hbm>>) dst(%arg8 : memref<128x256xf32, #tpu.memory_space<vmem>>)
    %add3A_44 = arith.constant 384 : i32
    %add3A_45 = arith.addi %mul3A_2, %add3A_44 : i32
    "tpu.region"() ({
      %run_scoped3A = tpu.sem_alloc : memref<!tpu.dma_semaphore, #tpu.memory_space<semaphore_mem>>
      %dma_start3A_81 = arith.constant 0 : i32
      %dma_start3A_82 = tpu.memref_slice %arg4[%add3A_45, %dma_start3A_81] : memref<32768x256xf32, #tpu.memory_space<hbm>> -> memref<128x256xf32, #tpu.memory_space<hbm>>
      %dma_start3A_83 = arith.constant 0 : i32
      %dma_start3A_84 = tpu.memref_slice %arg4[%add3A_45, %dma_start3A_83] : memref<32768x256xf32, #tpu.memory_space<hbm>> -> memref<128x256xf32, #tpu.memory_space<hbm>>
      tpu.enqueue_dma source(%arg8 : memref<128x256xf32, #tpu.memory_space<vmem>>) target(%dma_start3A_84 : memref<128x256xf32, #tpu.memory_space<hbm>>) target_semaphore(%run_scoped3A : memref<!tpu.dma_semaphore, #tpu.memory_space<semaphore_mem>>)
      %dma_wait3A_85 = arith.constant 0 : i32
      %dma_wait3A_86 = tpu.memref_slice %arg4[%add3A_45, %dma_wait3A_85] : memref<32768x256xf32, #tpu.memory_space<hbm>> -> memref<128x256xf32, #tpu.memory_space<hbm>>
      %dma_wait3A_87 = arith.constant 0 : i32
      %dma_wait3A_88 = tpu.memref_slice %arg4[%add3A_45, %dma_wait3A_87] : memref<32768x256xf32, #tpu.memory_space<hbm>> -> memref<128x256xf32, #tpu.memory_space<hbm>>
      tpu.wait_dma2 semaphore(%run_scoped3A : memref<!tpu.dma_semaphore, #tpu.memory_space<semaphore_mem>>) src(%arg8 : memref<128x256xf32, #tpu.memory_space<vmem>>) dst(%dma_wait3A_88 : memref<128x256xf32, #tpu.memory_space<hbm>>)
      tpu.yield
    }) : () -> ()
    %add3A_46 = arith.constant 640 : i32
    %add3A_47 = arith.addi %mul3A_2, %add3A_46 : i32
    "tpu.region"() ({
      %run_scoped3A = tpu.sem_alloc : memref<!tpu.dma_semaphore, #tpu.memory_space<semaphore_mem>>
      %dma_start3A_81 = tpu.memref_slice %arg3[%add3A_47] : memref<32768xi32, #tpu.memory_space<hbm>> -> memref<128xi32, #tpu.memory_space<hbm>>
      %dma_start3A_82 = tpu.memref_slice %arg3[%add3A_47] : memref<32768xi32, #tpu.memory_space<hbm>> -> memref<128xi32, #tpu.memory_space<hbm>>
      tpu.enqueue_dma source(%dma_start3A_82 : memref<128xi32, #tpu.memory_space<hbm>>) target(%arg6 : memref<128xi32, #tpu.memory_space<vmem>>) target_semaphore(%run_scoped3A : memref<!tpu.dma_semaphore, #tpu.memory_space<semaphore_mem>>)
      %dma_wait3A_83 = tpu.memref_slice %arg3[%add3A_47] : memref<32768xi32, #tpu.memory_space<hbm>> -> memref<128xi32, #tpu.memory_space<hbm>>
      %dma_wait3A_84 = tpu.memref_slice %arg3[%add3A_47] : memref<32768xi32, #tpu.memory_space<hbm>> -> memref<128xi32, #tpu.memory_space<hbm>>
      tpu.wait_dma2 semaphore(%run_scoped3A : memref<!tpu.dma_semaphore, #tpu.memory_space<semaphore_mem>>) src(%dma_wait3A_84 : memref<128xi32, #tpu.memory_space<hbm>>) dst(%arg6 : memref<128xi32, #tpu.memory_space<vmem>>)
      tpu.yield
    }) : () -> ()
    %dma_start3A_48 = arith.constant 0 : i32
    %dma_start3A_49 = arith.constant 0 : i32
    %dma_start3A_50 = tpu.memref_slice %arg2[%dma_start3A_48, %dma_start3A_49] : memref<8192x256xf32, #tpu.memory_space<hbm>> -> memref<8192x256xf32, #tpu.memory_space<hbm>>
    tpu.enqueue_indirect_dma source(%dma_start3A_50 : memref<8192x256xf32, #tpu.memory_space<hbm>>) target(%arg8 : memref<128x256xf32, #tpu.memory_space<vmem>>) offsets(%arg6 : memref<128xi32, #tpu.memory_space<vmem>>) semaphore(%arg10 : memref<!tpu.dma_semaphore, #tpu.memory_space<semaphore_mem>>)
    %dma_wait3A_51 = arith.constant 0 : i32
    %dma_wait3A_52 = arith.constant 0 : i32
    %dma_wait3A_53 = tpu.memref_slice %arg2[%dma_wait3A_51, %dma_wait3A_52] : memref<8192x256xf32, #tpu.memory_space<hbm>> -> memref<8192x256xf32, #tpu.memory_space<hbm>>
    tpu.wait_indirect_dma semaphore(%arg9 : memref<!tpu.dma_semaphore, #tpu.memory_space<semaphore_mem>>) src(%dma_wait3A_53 : memref<8192x256xf32, #tpu.memory_space<hbm>>) dst(%arg7 : memref<128x256xf32, #tpu.memory_space<vmem>>)
    %add3A_54 = arith.constant 512 : i32
    %add3A_55 = arith.addi %mul3A_2, %add3A_54 : i32
    "tpu.region"() ({
      %run_scoped3A = tpu.sem_alloc : memref<!tpu.dma_semaphore, #tpu.memory_space<semaphore_mem>>
      %dma_start3A_81 = arith.constant 0 : i32
      %dma_start3A_82 = tpu.memref_slice %arg4[%add3A_55, %dma_start3A_81] : memref<32768x256xf32, #tpu.memory_space<hbm>> -> memref<128x256xf32, #tpu.memory_space<hbm>>
      %dma_start3A_83 = arith.constant 0 : i32
      %dma_start3A_84 = tpu.memref_slice %arg4[%add3A_55, %dma_start3A_83] : memref<32768x256xf32, #tpu.memory_space<hbm>> -> memref<128x256xf32, #tpu.memory_space<hbm>>
      tpu.enqueue_dma source(%arg7 : memref<128x256xf32, #tpu.memory_space<vmem>>) target(%dma_start3A_84 : memref<128x256xf32, #tpu.memory_space<hbm>>) target_semaphore(%run_scoped3A : memref<!tpu.dma_semaphore, #tpu.memory_space<semaphore_mem>>)
      %dma_wait3A_85 = arith.constant 0 : i32
      %dma_wait3A_86 = tpu.memref_slice %arg4[%add3A_55, %dma_wait3A_85] : memref<32768x256xf32, #tpu.memory_space<hbm>> -> memref<128x256xf32, #tpu.memory_space<hbm>>
      %dma_wait3A_87 = arith.constant 0 : i32
      %dma_wait3A_88 = tpu.memref_slice %arg4[%add3A_55, %dma_wait3A_87] : memref<32768x256xf32, #tpu.memory_space<hbm>> -> memref<128x256xf32, #tpu.memory_space<hbm>>
      tpu.wait_dma2 semaphore(%run_scoped3A : memref<!tpu.dma_semaphore, #tpu.memory_space<semaphore_mem>>) src(%arg7 : memref<128x256xf32, #tpu.memory_space<vmem>>) dst(%dma_wait3A_88 : memref<128x256xf32, #tpu.memory_space<hbm>>)
      tpu.yield
    }) : () -> ()
    %add3A_56 = arith.constant 768 : i32
    %add3A_57 = arith.addi %mul3A_2, %add3A_56 : i32
    "tpu.region"() ({
      %run_scoped3A = tpu.sem_alloc : memref<!tpu.dma_semaphore, #tpu.memory_space<semaphore_mem>>
      %dma_start3A_81 = tpu.memref_slice %arg3[%add3A_57] : memref<32768xi32, #tpu.memory_space<hbm>> -> memref<128xi32, #tpu.memory_space<hbm>>
      %dma_start3A_82 = tpu.memref_slice %arg3[%add3A_57] : memref<32768xi32, #tpu.memory_space<hbm>> -> memref<128xi32, #tpu.memory_space<hbm>>
      tpu.enqueue_dma source(%dma_start3A_82 : memref<128xi32, #tpu.memory_space<hbm>>) target(%arg5 : memref<128xi32, #tpu.memory_space<vmem>>) target_semaphore(%run_scoped3A : memref<!tpu.dma_semaphore, #tpu.memory_space<semaphore_mem>>)
      %dma_wait3A_83 = tpu.memref_slice %arg3[%add3A_57] : memref<32768xi32, #tpu.memory_space<hbm>> -> memref<128xi32, #tpu.memory_space<hbm>>
      %dma_wait3A_84 = tpu.memref_slice %arg3[%add3A_57] : memref<32768xi32, #tpu.memory_space<hbm>> -> memref<128xi32, #tpu.memory_space<hbm>>
      tpu.wait_dma2 semaphore(%run_scoped3A : memref<!tpu.dma_semaphore, #tpu.memory_space<semaphore_mem>>) src(%dma_wait3A_84 : memref<128xi32, #tpu.memory_space<hbm>>) dst(%arg5 : memref<128xi32, #tpu.memory_space<vmem>>)
      tpu.yield
    }) : () -> ()
    %dma_start3A_58 = arith.constant 0 : i32
    %dma_start3A_59 = arith.constant 0 : i32
    %dma_start3A_60 = tpu.memref_slice %arg2[%dma_start3A_58, %dma_start3A_59] : memref<8192x256xf32, #tpu.memory_space<hbm>> -> memref<8192x256xf32, #tpu.memory_space<hbm>>
    tpu.enqueue_indirect_dma source(%dma_start3A_60 : memref<8192x256xf32, #tpu.memory_space<hbm>>) target(%arg7 : memref<128x256xf32, #tpu.memory_space<vmem>>) offsets(%arg5 : memref<128xi32, #tpu.memory_space<vmem>>) semaphore(%arg9 : memref<!tpu.dma_semaphore, #tpu.memory_space<semaphore_mem>>)
    %dma_wait3A_61 = arith.constant 0 : i32
    %dma_wait3A_62 = arith.constant 0 : i32
    %dma_wait3A_63 = tpu.memref_slice %arg2[%dma_wait3A_61, %dma_wait3A_62] : memref<8192x256xf32, #tpu.memory_space<hbm>> -> memref<8192x256xf32, #tpu.memory_space<hbm>>
    tpu.wait_indirect_dma semaphore(%arg10 : memref<!tpu.dma_semaphore, #tpu.memory_space<semaphore_mem>>) src(%dma_wait3A_63 : memref<8192x256xf32, #tpu.memory_space<hbm>>) dst(%arg8 : memref<128x256xf32, #tpu.memory_space<vmem>>)
    %add3A_64 = arith.constant 640 : i32
    %add3A_65 = arith.addi %mul3A_2, %add3A_64 : i32
    "tpu.region"() ({
      %run_scoped3A = tpu.sem_alloc : memref<!tpu.dma_semaphore, #tpu.memory_space<semaphore_mem>>
      %dma_start3A_81 = arith.constant 0 : i32
      %dma_start3A_82 = tpu.memref_slice %arg4[%add3A_65, %dma_start3A_81] : memref<32768x256xf32, #tpu.memory_space<hbm>> -> memref<128x256xf32, #tpu.memory_space<hbm>>
      %dma_start3A_83 = arith.constant 0 : i32
      %dma_start3A_84 = tpu.memref_slice %arg4[%add3A_65, %dma_start3A_83] : memref<32768x256xf32, #tpu.memory_space<hbm>> -> memref<128x256xf32, #tpu.memory_space<hbm>>
      tpu.enqueue_dma source(%arg8 : memref<128x256xf32, #tpu.memory_space<vmem>>) target(%dma_start3A_84 : memref<128x256xf32, #tpu.memory_space<hbm>>) target_semaphore(%run_scoped3A : memref<!tpu.dma_semaphore, #tpu.memory_space<semaphore_mem>>)
      %dma_wait3A_85 = arith.constant 0 : i32
      %dma_wait3A_86 = tpu.memref_slice %arg4[%add3A_65, %dma_wait3A_85] : memref<32768x256xf32, #tpu.memory_space<hbm>> -> memref<128x256xf32, #tpu.memory_space<hbm>>
      %dma_wait3A_87 = arith.constant 0 : i32
      %dma_wait3A_88 = tpu.memref_slice %arg4[%add3A_65, %dma_wait3A_87] : memref<32768x256xf32, #tpu.memory_space<hbm>> -> memref<128x256xf32, #tpu.memory_space<hbm>>
      tpu.wait_dma2 semaphore(%run_scoped3A : memref<!tpu.dma_semaphore, #tpu.memory_space<semaphore_mem>>) src(%arg8 : memref<128x256xf32, #tpu.memory_space<vmem>>) dst(%dma_wait3A_88 : memref<128x256xf32, #tpu.memory_space<hbm>>)
      tpu.yield
    }) : () -> ()
    %add3A_66 = arith.constant 896 : i32
    %add3A_67 = arith.addi %mul3A_2, %add3A_66 : i32
    "tpu.region"() ({
      %run_scoped3A = tpu.sem_alloc : memref<!tpu.dma_semaphore, #tpu.memory_space<semaphore_mem>>
      %dma_start3A_81 = tpu.memref_slice %arg3[%add3A_67] : memref<32768xi32, #tpu.memory_space<hbm>> -> memref<128xi32, #tpu.memory_space<hbm>>
      %dma_start3A_82 = tpu.memref_slice %arg3[%add3A_67] : memref<32768xi32, #tpu.memory_space<hbm>> -> memref<128xi32, #tpu.memory_space<hbm>>
      tpu.enqueue_dma source(%dma_start3A_82 : memref<128xi32, #tpu.memory_space<hbm>>) target(%arg6 : memref<128xi32, #tpu.memory_space<vmem>>) target_semaphore(%run_scoped3A : memref<!tpu.dma_semaphore, #tpu.memory_space<semaphore_mem>>)
      %dma_wait3A_83 = tpu.memref_slice %arg3[%add3A_67] : memref<32768xi32, #tpu.memory_space<hbm>> -> memref<128xi32, #tpu.memory_space<hbm>>
      %dma_wait3A_84 = tpu.memref_slice %arg3[%add3A_67] : memref<32768xi32, #tpu.memory_space<hbm>> -> memref<128xi32, #tpu.memory_space<hbm>>
      tpu.wait_dma2 semaphore(%run_scoped3A : memref<!tpu.dma_semaphore, #tpu.memory_space<semaphore_mem>>) src(%dma_wait3A_84 : memref<128xi32, #tpu.memory_space<hbm>>) dst(%arg6 : memref<128xi32, #tpu.memory_space<vmem>>)
      tpu.yield
    }) : () -> ()
    %dma_start3A_68 = arith.constant 0 : i32
    %dma_start3A_69 = arith.constant 0 : i32
    %dma_start3A_70 = tpu.memref_slice %arg2[%dma_start3A_68, %dma_start3A_69] : memref<8192x256xf32, #tpu.memory_space<hbm>> -> memref<8192x256xf32, #tpu.memory_space<hbm>>
    tpu.enqueue_indirect_dma source(%dma_start3A_70 : memref<8192x256xf32, #tpu.memory_space<hbm>>) target(%arg8 : memref<128x256xf32, #tpu.memory_space<vmem>>) offsets(%arg6 : memref<128xi32, #tpu.memory_space<vmem>>) semaphore(%arg10 : memref<!tpu.dma_semaphore, #tpu.memory_space<semaphore_mem>>)
    %dma_wait3A_71 = arith.constant 0 : i32
    %dma_wait3A_72 = arith.constant 0 : i32
    %dma_wait3A_73 = tpu.memref_slice %arg2[%dma_wait3A_71, %dma_wait3A_72] : memref<8192x256xf32, #tpu.memory_space<hbm>> -> memref<8192x256xf32, #tpu.memory_space<hbm>>
    tpu.wait_indirect_dma semaphore(%arg9 : memref<!tpu.dma_semaphore, #tpu.memory_space<semaphore_mem>>) src(%dma_wait3A_73 : memref<8192x256xf32, #tpu.memory_space<hbm>>) dst(%arg7 : memref<128x256xf32, #tpu.memory_space<vmem>>)
    %add3A_74 = arith.constant 768 : i32
    %add3A_75 = arith.addi %mul3A_2, %add3A_74 : i32
    "tpu.region"() ({
      %run_scoped3A = tpu.sem_alloc : memref<!tpu.dma_semaphore, #tpu.memory_space<semaphore_mem>>
      %dma_start3A_81 = arith.constant 0 : i32
      %dma_start3A_82 = tpu.memref_slice %arg4[%add3A_75, %dma_start3A_81] : memref<32768x256xf32, #tpu.memory_space<hbm>> -> memref<128x256xf32, #tpu.memory_space<hbm>>
      %dma_start3A_83 = arith.constant 0 : i32
      %dma_start3A_84 = tpu.memref_slice %arg4[%add3A_75, %dma_start3A_83] : memref<32768x256xf32, #tpu.memory_space<hbm>> -> memref<128x256xf32, #tpu.memory_space<hbm>>
      tpu.enqueue_dma source(%arg7 : memref<128x256xf32, #tpu.memory_space<vmem>>) target(%dma_start3A_84 : memref<128x256xf32, #tpu.memory_space<hbm>>) target_semaphore(%run_scoped3A : memref<!tpu.dma_semaphore, #tpu.memory_space<semaphore_mem>>)
      %dma_wait3A_85 = arith.constant 0 : i32
      %dma_wait3A_86 = tpu.memref_slice %arg4[%add3A_75, %dma_wait3A_85] : memref<32768x256xf32, #tpu.memory_space<hbm>> -> memref<128x256xf32, #tpu.memory_space<hbm>>
      %dma_wait3A_87 = arith.constant 0 : i32
      %dma_wait3A_88 = tpu.memref_slice %arg4[%add3A_75, %dma_wait3A_87] : memref<32768x256xf32, #tpu.memory_space<hbm>> -> memref<128x256xf32, #tpu.memory_space<hbm>>
      tpu.wait_dma2 semaphore(%run_scoped3A : memref<!tpu.dma_semaphore, #tpu.memory_space<semaphore_mem>>) src(%arg7 : memref<128x256xf32, #tpu.memory_space<vmem>>) dst(%dma_wait3A_88 : memref<128x256xf32, #tpu.memory_space<hbm>>)
      tpu.yield
    }) : () -> ()
    %dma_wait3A_76 = arith.constant 0 : i32
    %dma_wait3A_77 = arith.constant 0 : i32
    %dma_wait3A_78 = tpu.memref_slice %arg2[%dma_wait3A_76, %dma_wait3A_77] : memref<8192x256xf32, #tpu.memory_space<hbm>> -> memref<8192x256xf32, #tpu.memory_space<hbm>>
    tpu.wait_indirect_dma semaphore(%arg10 : memref<!tpu.dma_semaphore, #tpu.memory_space<semaphore_mem>>) src(%dma_wait3A_78 : memref<8192x256xf32, #tpu.memory_space<hbm>>) dst(%arg8 : memref<128x256xf32, #tpu.memory_space<vmem>>)
    %add3A_79 = arith.constant 896 : i32
    %add3A_80 = arith.addi %mul3A_2, %add3A_79 : i32
    "tpu.region"() ({
      %run_scoped3A = tpu.sem_alloc : memref<!tpu.dma_semaphore, #tpu.memory_space<semaphore_mem>>
      %dma_start3A_81 = arith.constant 0 : i32
      %dma_start3A_82 = tpu.memref_slice %arg4[%add3A_80, %dma_start3A_81] : memref<32768x256xf32, #tpu.memory_space<hbm>> -> memref<128x256xf32, #tpu.memory_space<hbm>>
      %dma_start3A_83 = arith.constant 0 : i32
      %dma_start3A_84 = tpu.memref_slice %arg4[%add3A_80, %dma_start3A_83] : memref<32768x256xf32, #tpu.memory_space<hbm>> -> memref<128x256xf32, #tpu.memory_space<hbm>>
      tpu.enqueue_dma source(%arg8 : memref<128x256xf32, #tpu.memory_space<vmem>>) target(%dma_start3A_84 : memref<128x256xf32, #tpu.memory_space<hbm>>) target_semaphore(%run_scoped3A : memref<!tpu.dma_semaphore, #tpu.memory_space<semaphore_mem>>)
      %dma_wait3A_85 = arith.constant 0 : i32
      %dma_wait3A_86 = tpu.memref_slice %arg4[%add3A_80, %dma_wait3A_85] : memref<32768x256xf32, #tpu.memory_space<hbm>> -> memref<128x256xf32, #tpu.memory_space<hbm>>
      %dma_wait3A_87 = arith.constant 0 : i32
      %dma_wait3A_88 = tpu.memref_slice %arg4[%add3A_80, %dma_wait3A_87] : memref<32768x256xf32, #tpu.memory_space<hbm>> -> memref<128x256xf32, #tpu.memory_space<hbm>>
      tpu.wait_dma2 semaphore(%run_scoped3A : memref<!tpu.dma_semaphore, #tpu.memory_space<semaphore_mem>>) src(%arg8 : memref<128x256xf32, #tpu.memory_space<vmem>>) dst(%dma_wait3A_88 : memref<128x256xf32, #tpu.memory_space<hbm>>)
      tpu.yield
    }) : () -> ()
    return
  }
}

module attributes {stable_mosaic.version = 14 : i64} {
  func.func @_dist_argmin_kernel(%arg0: i32, %arg1: memref<2048x256xf32, #tpu.memory_space<vmem>>, %arg2: memref<8192x256xf32, #tpu.memory_space<vmem>>, %arg3: memref<1x8192xf32, #tpu.memory_space<vmem>>, %arg4: memref<2048x1xi32, #tpu.memory_space<vmem>>, %arg5: memref<1x1xf32, #tpu.memory_space<smem>>) attributes {dimension_semantics = [#tpu.dimension_semantics<arbitrary>], iteration_bounds = array<i64: 16>, scalar_prefetch = 0 : i64, scratch_operands = 0 : i64, tpu.core_type = #tpu.core_type<tc>, window_params = [{transform_indices = @transform_0, window_bounds = array<i64: 2048, 256>}, {pipeline_mode = #tpu.pipeline_mode<synchronous>, transform_indices = @transform_1, window_bounds = array<i64: 8192, 256>}, {pipeline_mode = #tpu.pipeline_mode<synchronous>, transform_indices = @transform_2, window_bounds = array<i64: 1, 8192>}, {transform_indices = @transform_3, window_bounds = array<i64: 2048, 1>}, {transform_indices = @transform_4, window_bounds = array<i64: 1, 1>}]} {
    %get3A = arith.constant 0 : index
    %get3A_0 = arith.constant 0 : index
    %get3A_1 = vector.load %arg1[%get3A, %get3A_0] : memref<2048x256xf32, #tpu.memory_space<vmem>>, vector<2048x256xf32>
    %add3A = arith.addf %get3A_1, %get3A_1 : vector<2048x256xf32>
    %mul3A = arith.mulf %get3A_1, %get3A_1 : vector<2048x256xf32>
    %reduce_sum3A = arith.constant dense<0.000000e+00> : vector<2048xf32>
    %reduce_sum3A_2 = vector.multi_reduction <add>, %mul3A, %reduce_sum3A [1] : vector<2048x256xf32> to vector<2048xf32>
    %broadcast_in_dim3A = vector.shape_cast %reduce_sum3A_2 : vector<2048xf32> to vector<2048x1xf32>
    %broadcast_in_dim3A_3 = arith.constant 0x7F800000 : f32
    %broadcast_in_dim3A_4 = vector.broadcast %broadcast_in_dim3A_3 : f32 to vector<2048x1xf32>
    %broadcast_in_dim3A_5 = arith.constant 0.000000e+00 : f32
    %broadcast_in_dim3A_6 = vector.broadcast %broadcast_in_dim3A_5 : f32 to vector<2048x1xf32>
    %iota3A = tpu.iota {dimensions = array<i32: 1>} : vector<2048x1024xi32>
    %convert_element_type3A = arith.sitofp %iota3A : vector<2048x1024xi32> to vector<2048x1024xf32>
    %get3A_7 = arith.constant 0 : index
    %get3A_8 = arith.constant 0 : index
    %get3A_9 = vector.load %arg2[%get3A_7, %get3A_8] : memref<8192x256xf32, #tpu.memory_space<vmem>>, vector<1024x256xf32>
    %dot_general3A = arith.constant dense<0.000000e+00> : vector<2048x1024xf32>
    %dot_general3A_10 = tpu.matmul %add3A, %get3A_9, %dot_general3A {dimension_numbers = #tpu.dot_dimension_numbers<[1], [1], [0], [0], [0, 0, 1, 0], [], []>, transpose_lhs_hint = false} : vector<2048x256xf32>, vector<1024x256xf32>, vector<2048x1024xf32> -> vector<2048x1024xf32>
    %get3A_11 = arith.constant 0 : index
    %get3A_12 = arith.constant 0 : index
    %get3A_13 = vector.load %arg3[%get3A_11, %get3A_12] : memref<1x8192xf32, #tpu.memory_space<vmem>>, vector<1x1024xf32>
    %sub3A = vector.broadcast %broadcast_in_dim3A : vector<2048x1xf32> to vector<2048x1024xf32>
    %sub3A_14 = arith.subf %sub3A, %dot_general3A_10 : vector<2048x1024xf32>
    %add3A_15 = vector.broadcast %get3A_13 : vector<1x1024xf32> to vector<2048x1024xf32>
    %add3A_16 = arith.addf %sub3A_14, %add3A_15 : vector<2048x1024xf32>
    %reduce_min3A = arith.constant dense<0x7F800000> : vector<2048xf32>
    %reduce_min3A_17 = vector.multi_reduction <minimumf>, %add3A_16, %reduce_min3A [1] : vector<2048x1024xf32> to vector<2048xf32>
    %broadcast_in_dim3A_18 = vector.shape_cast %reduce_min3A_17 : vector<2048xf32> to vector<2048x1xf32>
    %eq3A = vector.broadcast %broadcast_in_dim3A_18 : vector<2048x1xf32> to vector<2048x1024xf32>
    %eq3A_19 = arith.cmpf oeq, %add3A_16, %eq3A : vector<2048x1024xf32>
    %jit3A = arith.constant 8.192000e+03 : f32
    %broadcast_in_dim3A_20 = vector.broadcast %jit3A : f32 to vector<2048x1024xf32>
    %select_n3A = arith.select %eq3A_19, %convert_element_type3A, %broadcast_in_dim3A_20 : vector<2048x1024xi1>, vector<2048x1024xf32>
    %reduce_min3A_21 = arith.constant dense<0x7F800000> : vector<2048xf32>
    %reduce_min3A_22 = vector.multi_reduction <minimumf>, %select_n3A, %reduce_min3A_21 [1] : vector<2048x1024xf32> to vector<2048xf32>
    %broadcast_in_dim3A_23 = vector.shape_cast %reduce_min3A_22 : vector<2048xf32> to vector<2048x1xf32>
    %add3A_24 = arith.constant 0.000000e+00 : f32
    %add3A_25 = vector.broadcast %add3A_24 : f32 to vector<2048x1xf32>
    %add3A_26 = arith.addf %broadcast_in_dim3A_23, %add3A_25 : vector<2048x1xf32>
    %lt3A = arith.cmpf olt, %broadcast_in_dim3A_18, %broadcast_in_dim3A_4 : vector<2048x1xf32>
    %select_n3A_27 = arith.select %lt3A, %add3A_26, %broadcast_in_dim3A_6 : vector<2048x1xi1>, vector<2048x1xf32>
    %select_n3A_28 = arith.select %lt3A, %broadcast_in_dim3A_18, %broadcast_in_dim3A_4 : vector<2048x1xi1>, vector<2048x1xf32>
    %get3A_29 = arith.constant 1024 : index
    %get3A_30 = arith.constant 0 : index
    %get3A_31 = vector.load %arg2[%get3A_29, %get3A_30] : memref<8192x256xf32, #tpu.memory_space<vmem>>, vector<1024x256xf32>
    %dot_general3A_32 = arith.constant dense<0.000000e+00> : vector<2048x1024xf32>
    %dot_general3A_33 = tpu.matmul %add3A, %get3A_31, %dot_general3A_32 {dimension_numbers = #tpu.dot_dimension_numbers<[1], [1], [0], [0], [0, 0, 1, 0], [], []>, transpose_lhs_hint = false} : vector<2048x256xf32>, vector<1024x256xf32>, vector<2048x1024xf32> -> vector<2048x1024xf32>
    %get3A_34 = arith.constant 0 : index
    %get3A_35 = arith.constant 1024 : index
    %get3A_36 = vector.load %arg3[%get3A_34, %get3A_35] : memref<1x8192xf32, #tpu.memory_space<vmem>>, vector<1x1024xf32>
    %sub3A_37 = vector.broadcast %broadcast_in_dim3A : vector<2048x1xf32> to vector<2048x1024xf32>
    %sub3A_38 = arith.subf %sub3A_37, %dot_general3A_33 : vector<2048x1024xf32>
    %add3A_39 = vector.broadcast %get3A_36 : vector<1x1024xf32> to vector<2048x1024xf32>
    %add3A_40 = arith.addf %sub3A_38, %add3A_39 : vector<2048x1024xf32>
    %reduce_min3A_41 = arith.constant dense<0x7F800000> : vector<2048xf32>
    %reduce_min3A_42 = vector.multi_reduction <minimumf>, %add3A_40, %reduce_min3A_41 [1] : vector<2048x1024xf32> to vector<2048xf32>
    %broadcast_in_dim3A_43 = vector.shape_cast %reduce_min3A_42 : vector<2048xf32> to vector<2048x1xf32>
    %eq3A_44 = vector.broadcast %broadcast_in_dim3A_43 : vector<2048x1xf32> to vector<2048x1024xf32>
    %eq3A_45 = arith.cmpf oeq, %add3A_40, %eq3A_44 : vector<2048x1024xf32>
    %jit3A_46 = arith.constant 8.192000e+03 : f32
    %broadcast_in_dim3A_47 = vector.broadcast %jit3A_46 : f32 to vector<2048x1024xf32>
    %select_n3A_48 = arith.select %eq3A_45, %convert_element_type3A, %broadcast_in_dim3A_47 : vector<2048x1024xi1>, vector<2048x1024xf32>
    %reduce_min3A_49 = arith.constant dense<0x7F800000> : vector<2048xf32>
    %reduce_min3A_50 = vector.multi_reduction <minimumf>, %select_n3A_48, %reduce_min3A_49 [1] : vector<2048x1024xf32> to vector<2048xf32>
    %broadcast_in_dim3A_51 = vector.shape_cast %reduce_min3A_50 : vector<2048xf32> to vector<2048x1xf32>
    %add3A_52 = arith.constant 1.024000e+03 : f32
    %add3A_53 = vector.broadcast %add3A_52 : f32 to vector<2048x1xf32>
    %add3A_54 = arith.addf %broadcast_in_dim3A_51, %add3A_53 : vector<2048x1xf32>
    %lt3A_55 = arith.cmpf olt, %broadcast_in_dim3A_43, %select_n3A_28 : vector<2048x1xf32>
    %select_n3A_56 = arith.select %lt3A_55, %add3A_54, %select_n3A_27 : vector<2048x1xi1>, vector<2048x1xf32>
    %select_n3A_57 = arith.select %lt3A_55, %broadcast_in_dim3A_43, %select_n3A_28 : vector<2048x1xi1>, vector<2048x1xf32>
    %get3A_58 = arith.constant 2048 : index
    %get3A_59 = arith.constant 0 : index
    %get3A_60 = vector.load %arg2[%get3A_58, %get3A_59] : memref<8192x256xf32, #tpu.memory_space<vmem>>, vector<1024x256xf32>
    %dot_general3A_61 = arith.constant dense<0.000000e+00> : vector<2048x1024xf32>
    %dot_general3A_62 = tpu.matmul %add3A, %get3A_60, %dot_general3A_61 {dimension_numbers = #tpu.dot_dimension_numbers<[1], [1], [0], [0], [0, 0, 1, 0], [], []>, transpose_lhs_hint = false} : vector<2048x256xf32>, vector<1024x256xf32>, vector<2048x1024xf32> -> vector<2048x1024xf32>
    %get3A_63 = arith.constant 0 : index
    %get3A_64 = arith.constant 2048 : index
    %get3A_65 = vector.load %arg3[%get3A_63, %get3A_64] : memref<1x8192xf32, #tpu.memory_space<vmem>>, vector<1x1024xf32>
    %sub3A_66 = vector.broadcast %broadcast_in_dim3A : vector<2048x1xf32> to vector<2048x1024xf32>
    %sub3A_67 = arith.subf %sub3A_66, %dot_general3A_62 : vector<2048x1024xf32>
    %add3A_68 = vector.broadcast %get3A_65 : vector<1x1024xf32> to vector<2048x1024xf32>
    %add3A_69 = arith.addf %sub3A_67, %add3A_68 : vector<2048x1024xf32>
    %reduce_min3A_70 = arith.constant dense<0x7F800000> : vector<2048xf32>
    %reduce_min3A_71 = vector.multi_reduction <minimumf>, %add3A_69, %reduce_min3A_70 [1] : vector<2048x1024xf32> to vector<2048xf32>
    %broadcast_in_dim3A_72 = vector.shape_cast %reduce_min3A_71 : vector<2048xf32> to vector<2048x1xf32>
    %eq3A_73 = vector.broadcast %broadcast_in_dim3A_72 : vector<2048x1xf32> to vector<2048x1024xf32>
    %eq3A_74 = arith.cmpf oeq, %add3A_69, %eq3A_73 : vector<2048x1024xf32>
    %jit3A_75 = arith.constant 8.192000e+03 : f32
    %broadcast_in_dim3A_76 = vector.broadcast %jit3A_75 : f32 to vector<2048x1024xf32>
    %select_n3A_77 = arith.select %eq3A_74, %convert_element_type3A, %broadcast_in_dim3A_76 : vector<2048x1024xi1>, vector<2048x1024xf32>
    %reduce_min3A_78 = arith.constant dense<0x7F800000> : vector<2048xf32>
    %reduce_min3A_79 = vector.multi_reduction <minimumf>, %select_n3A_77, %reduce_min3A_78 [1] : vector<2048x1024xf32> to vector<2048xf32>
    %broadcast_in_dim3A_80 = vector.shape_cast %reduce_min3A_79 : vector<2048xf32> to vector<2048x1xf32>
    %add3A_81 = arith.constant 2.048000e+03 : f32
    %add3A_82 = vector.broadcast %add3A_81 : f32 to vector<2048x1xf32>
    %add3A_83 = arith.addf %broadcast_in_dim3A_80, %add3A_82 : vector<2048x1xf32>
    %lt3A_84 = arith.cmpf olt, %broadcast_in_dim3A_72, %select_n3A_57 : vector<2048x1xf32>
    %select_n3A_85 = arith.select %lt3A_84, %add3A_83, %select_n3A_56 : vector<2048x1xi1>, vector<2048x1xf32>
    %select_n3A_86 = arith.select %lt3A_84, %broadcast_in_dim3A_72, %select_n3A_57 : vector<2048x1xi1>, vector<2048x1xf32>
    %get3A_87 = arith.constant 3072 : index
    %get3A_88 = arith.constant 0 : index
    %get3A_89 = vector.load %arg2[%get3A_87, %get3A_88] : memref<8192x256xf32, #tpu.memory_space<vmem>>, vector<1024x256xf32>
    %dot_general3A_90 = arith.constant dense<0.000000e+00> : vector<2048x1024xf32>
    %dot_general3A_91 = tpu.matmul %add3A, %get3A_89, %dot_general3A_90 {dimension_numbers = #tpu.dot_dimension_numbers<[1], [1], [0], [0], [0, 0, 1, 0], [], []>, transpose_lhs_hint = false} : vector<2048x256xf32>, vector<1024x256xf32>, vector<2048x1024xf32> -> vector<2048x1024xf32>
    %get3A_92 = arith.constant 0 : index
    %get3A_93 = arith.constant 3072 : index
    %get3A_94 = vector.load %arg3[%get3A_92, %get3A_93] : memref<1x8192xf32, #tpu.memory_space<vmem>>, vector<1x1024xf32>
    %sub3A_95 = vector.broadcast %broadcast_in_dim3A : vector<2048x1xf32> to vector<2048x1024xf32>
    %sub3A_96 = arith.subf %sub3A_95, %dot_general3A_91 : vector<2048x1024xf32>
    %add3A_97 = vector.broadcast %get3A_94 : vector<1x1024xf32> to vector<2048x1024xf32>
    %add3A_98 = arith.addf %sub3A_96, %add3A_97 : vector<2048x1024xf32>
    %reduce_min3A_99 = arith.constant dense<0x7F800000> : vector<2048xf32>
    %reduce_min3A_100 = vector.multi_reduction <minimumf>, %add3A_98, %reduce_min3A_99 [1] : vector<2048x1024xf32> to vector<2048xf32>
    %broadcast_in_dim3A_101 = vector.shape_cast %reduce_min3A_100 : vector<2048xf32> to vector<2048x1xf32>
    %eq3A_102 = vector.broadcast %broadcast_in_dim3A_101 : vector<2048x1xf32> to vector<2048x1024xf32>
    %eq3A_103 = arith.cmpf oeq, %add3A_98, %eq3A_102 : vector<2048x1024xf32>
    %jit3A_104 = arith.constant 8.192000e+03 : f32
    %broadcast_in_dim3A_105 = vector.broadcast %jit3A_104 : f32 to vector<2048x1024xf32>
    %select_n3A_106 = arith.select %eq3A_103, %convert_element_type3A, %broadcast_in_dim3A_105 : vector<2048x1024xi1>, vector<2048x1024xf32>
    %reduce_min3A_107 = arith.constant dense<0x7F800000> : vector<2048xf32>
    %reduce_min3A_108 = vector.multi_reduction <minimumf>, %select_n3A_106, %reduce_min3A_107 [1] : vector<2048x1024xf32> to vector<2048xf32>
    %broadcast_in_dim3A_109 = vector.shape_cast %reduce_min3A_108 : vector<2048xf32> to vector<2048x1xf32>
    %add3A_110 = arith.constant 3.072000e+03 : f32
    %add3A_111 = vector.broadcast %add3A_110 : f32 to vector<2048x1xf32>
    %add3A_112 = arith.addf %broadcast_in_dim3A_109, %add3A_111 : vector<2048x1xf32>
    %lt3A_113 = arith.cmpf olt, %broadcast_in_dim3A_101, %select_n3A_86 : vector<2048x1xf32>
    %select_n3A_114 = arith.select %lt3A_113, %add3A_112, %select_n3A_85 : vector<2048x1xi1>, vector<2048x1xf32>
    %select_n3A_115 = arith.select %lt3A_113, %broadcast_in_dim3A_101, %select_n3A_86 : vector<2048x1xi1>, vector<2048x1xf32>
    %get3A_116 = arith.constant 4096 : index
    %get3A_117 = arith.constant 0 : index
    %get3A_118 = vector.load %arg2[%get3A_116, %get3A_117] : memref<8192x256xf32, #tpu.memory_space<vmem>>, vector<1024x256xf32>
    %dot_general3A_119 = arith.constant dense<0.000000e+00> : vector<2048x1024xf32>
    %dot_general3A_120 = tpu.matmul %add3A, %get3A_118, %dot_general3A_119 {dimension_numbers = #tpu.dot_dimension_numbers<[1], [1], [0], [0], [0, 0, 1, 0], [], []>, transpose_lhs_hint = false} : vector<2048x256xf32>, vector<1024x256xf32>, vector<2048x1024xf32> -> vector<2048x1024xf32>
    %get3A_121 = arith.constant 0 : index
    %get3A_122 = arith.constant 4096 : index
    %get3A_123 = vector.load %arg3[%get3A_121, %get3A_122] : memref<1x8192xf32, #tpu.memory_space<vmem>>, vector<1x1024xf32>
    %sub3A_124 = vector.broadcast %broadcast_in_dim3A : vector<2048x1xf32> to vector<2048x1024xf32>
    %sub3A_125 = arith.subf %sub3A_124, %dot_general3A_120 : vector<2048x1024xf32>
    %add3A_126 = vector.broadcast %get3A_123 : vector<1x1024xf32> to vector<2048x1024xf32>
    %add3A_127 = arith.addf %sub3A_125, %add3A_126 : vector<2048x1024xf32>
    %reduce_min3A_128 = arith.constant dense<0x7F800000> : vector<2048xf32>
    %reduce_min3A_129 = vector.multi_reduction <minimumf>, %add3A_127, %reduce_min3A_128 [1] : vector<2048x1024xf32> to vector<2048xf32>
    %broadcast_in_dim3A_130 = vector.shape_cast %reduce_min3A_129 : vector<2048xf32> to vector<2048x1xf32>
    %eq3A_131 = vector.broadcast %broadcast_in_dim3A_130 : vector<2048x1xf32> to vector<2048x1024xf32>
    %eq3A_132 = arith.cmpf oeq, %add3A_127, %eq3A_131 : vector<2048x1024xf32>
    %jit3A_133 = arith.constant 8.192000e+03 : f32
    %broadcast_in_dim3A_134 = vector.broadcast %jit3A_133 : f32 to vector<2048x1024xf32>
    %select_n3A_135 = arith.select %eq3A_132, %convert_element_type3A, %broadcast_in_dim3A_134 : vector<2048x1024xi1>, vector<2048x1024xf32>
    %reduce_min3A_136 = arith.constant dense<0x7F800000> : vector<2048xf32>
    %reduce_min3A_137 = vector.multi_reduction <minimumf>, %select_n3A_135, %reduce_min3A_136 [1] : vector<2048x1024xf32> to vector<2048xf32>
    %broadcast_in_dim3A_138 = vector.shape_cast %reduce_min3A_137 : vector<2048xf32> to vector<2048x1xf32>
    %add3A_139 = arith.constant 4.096000e+03 : f32
    %add3A_140 = vector.broadcast %add3A_139 : f32 to vector<2048x1xf32>
    %add3A_141 = arith.addf %broadcast_in_dim3A_138, %add3A_140 : vector<2048x1xf32>
    %lt3A_142 = arith.cmpf olt, %broadcast_in_dim3A_130, %select_n3A_115 : vector<2048x1xf32>
    %select_n3A_143 = arith.select %lt3A_142, %add3A_141, %select_n3A_114 : vector<2048x1xi1>, vector<2048x1xf32>
    %select_n3A_144 = arith.select %lt3A_142, %broadcast_in_dim3A_130, %select_n3A_115 : vector<2048x1xi1>, vector<2048x1xf32>
    %get3A_145 = arith.constant 5120 : index
    %get3A_146 = arith.constant 0 : index
    %get3A_147 = vector.load %arg2[%get3A_145, %get3A_146] : memref<8192x256xf32, #tpu.memory_space<vmem>>, vector<1024x256xf32>
    %dot_general3A_148 = arith.constant dense<0.000000e+00> : vector<2048x1024xf32>
    %dot_general3A_149 = tpu.matmul %add3A, %get3A_147, %dot_general3A_148 {dimension_numbers = #tpu.dot_dimension_numbers<[1], [1], [0], [0], [0, 0, 1, 0], [], []>, transpose_lhs_hint = false} : vector<2048x256xf32>, vector<1024x256xf32>, vector<2048x1024xf32> -> vector<2048x1024xf32>
    %get3A_150 = arith.constant 0 : index
    %get3A_151 = arith.constant 5120 : index
    %get3A_152 = vector.load %arg3[%get3A_150, %get3A_151] : memref<1x8192xf32, #tpu.memory_space<vmem>>, vector<1x1024xf32>
    %sub3A_153 = vector.broadcast %broadcast_in_dim3A : vector<2048x1xf32> to vector<2048x1024xf32>
    %sub3A_154 = arith.subf %sub3A_153, %dot_general3A_149 : vector<2048x1024xf32>
    %add3A_155 = vector.broadcast %get3A_152 : vector<1x1024xf32> to vector<2048x1024xf32>
    %add3A_156 = arith.addf %sub3A_154, %add3A_155 : vector<2048x1024xf32>
    %reduce_min3A_157 = arith.constant dense<0x7F800000> : vector<2048xf32>
    %reduce_min3A_158 = vector.multi_reduction <minimumf>, %add3A_156, %reduce_min3A_157 [1] : vector<2048x1024xf32> to vector<2048xf32>
    %broadcast_in_dim3A_159 = vector.shape_cast %reduce_min3A_158 : vector<2048xf32> to vector<2048x1xf32>
    %eq3A_160 = vector.broadcast %broadcast_in_dim3A_159 : vector<2048x1xf32> to vector<2048x1024xf32>
    %eq3A_161 = arith.cmpf oeq, %add3A_156, %eq3A_160 : vector<2048x1024xf32>
    %jit3A_162 = arith.constant 8.192000e+03 : f32
    %broadcast_in_dim3A_163 = vector.broadcast %jit3A_162 : f32 to vector<2048x1024xf32>
    %select_n3A_164 = arith.select %eq3A_161, %convert_element_type3A, %broadcast_in_dim3A_163 : vector<2048x1024xi1>, vector<2048x1024xf32>
    %reduce_min3A_165 = arith.constant dense<0x7F800000> : vector<2048xf32>
    %reduce_min3A_166 = vector.multi_reduction <minimumf>, %select_n3A_164, %reduce_min3A_165 [1] : vector<2048x1024xf32> to vector<2048xf32>
    %broadcast_in_dim3A_167 = vector.shape_cast %reduce_min3A_166 : vector<2048xf32> to vector<2048x1xf32>
    %add3A_168 = arith.constant 5.120000e+03 : f32
    %add3A_169 = vector.broadcast %add3A_168 : f32 to vector<2048x1xf32>
    %add3A_170 = arith.addf %broadcast_in_dim3A_167, %add3A_169 : vector<2048x1xf32>
    %lt3A_171 = arith.cmpf olt, %broadcast_in_dim3A_159, %select_n3A_144 : vector<2048x1xf32>
    %select_n3A_172 = arith.select %lt3A_171, %add3A_170, %select_n3A_143 : vector<2048x1xi1>, vector<2048x1xf32>
    %select_n3A_173 = arith.select %lt3A_171, %broadcast_in_dim3A_159, %select_n3A_144 : vector<2048x1xi1>, vector<2048x1xf32>
    %get3A_174 = arith.constant 6144 : index
    %get3A_175 = arith.constant 0 : index
    %get3A_176 = vector.load %arg2[%get3A_174, %get3A_175] : memref<8192x256xf32, #tpu.memory_space<vmem>>, vector<1024x256xf32>
    %dot_general3A_177 = arith.constant dense<0.000000e+00> : vector<2048x1024xf32>
    %dot_general3A_178 = tpu.matmul %add3A, %get3A_176, %dot_general3A_177 {dimension_numbers = #tpu.dot_dimension_numbers<[1], [1], [0], [0], [0, 0, 1, 0], [], []>, transpose_lhs_hint = false} : vector<2048x256xf32>, vector<1024x256xf32>, vector<2048x1024xf32> -> vector<2048x1024xf32>
    %get3A_179 = arith.constant 0 : index
    %get3A_180 = arith.constant 6144 : index
    %get3A_181 = vector.load %arg3[%get3A_179, %get3A_180] : memref<1x8192xf32, #tpu.memory_space<vmem>>, vector<1x1024xf32>
    %sub3A_182 = vector.broadcast %broadcast_in_dim3A : vector<2048x1xf32> to vector<2048x1024xf32>
    %sub3A_183 = arith.subf %sub3A_182, %dot_general3A_178 : vector<2048x1024xf32>
    %add3A_184 = vector.broadcast %get3A_181 : vector<1x1024xf32> to vector<2048x1024xf32>
    %add3A_185 = arith.addf %sub3A_183, %add3A_184 : vector<2048x1024xf32>
    %reduce_min3A_186 = arith.constant dense<0x7F800000> : vector<2048xf32>
    %reduce_min3A_187 = vector.multi_reduction <minimumf>, %add3A_185, %reduce_min3A_186 [1] : vector<2048x1024xf32> to vector<2048xf32>
    %broadcast_in_dim3A_188 = vector.shape_cast %reduce_min3A_187 : vector<2048xf32> to vector<2048x1xf32>
    %eq3A_189 = vector.broadcast %broadcast_in_dim3A_188 : vector<2048x1xf32> to vector<2048x1024xf32>
    %eq3A_190 = arith.cmpf oeq, %add3A_185, %eq3A_189 : vector<2048x1024xf32>
    %jit3A_191 = arith.constant 8.192000e+03 : f32
    %broadcast_in_dim3A_192 = vector.broadcast %jit3A_191 : f32 to vector<2048x1024xf32>
    %select_n3A_193 = arith.select %eq3A_190, %convert_element_type3A, %broadcast_in_dim3A_192 : vector<2048x1024xi1>, vector<2048x1024xf32>
    %reduce_min3A_194 = arith.constant dense<0x7F800000> : vector<2048xf32>
    %reduce_min3A_195 = vector.multi_reduction <minimumf>, %select_n3A_193, %reduce_min3A_194 [1] : vector<2048x1024xf32> to vector<2048xf32>
    %broadcast_in_dim3A_196 = vector.shape_cast %reduce_min3A_195 : vector<2048xf32> to vector<2048x1xf32>
    %add3A_197 = arith.constant 6.144000e+03 : f32
    %add3A_198 = vector.broadcast %add3A_197 : f32 to vector<2048x1xf32>
    %add3A_199 = arith.addf %broadcast_in_dim3A_196, %add3A_198 : vector<2048x1xf32>
    %lt3A_200 = arith.cmpf olt, %broadcast_in_dim3A_188, %select_n3A_173 : vector<2048x1xf32>
    %select_n3A_201 = arith.select %lt3A_200, %add3A_199, %select_n3A_172 : vector<2048x1xi1>, vector<2048x1xf32>
    %select_n3A_202 = arith.select %lt3A_200, %broadcast_in_dim3A_188, %select_n3A_173 : vector<2048x1xi1>, vector<2048x1xf32>
    %get3A_203 = arith.constant 7168 : index
    %get3A_204 = arith.constant 0 : index
    %get3A_205 = vector.load %arg2[%get3A_203, %get3A_204] : memref<8192x256xf32, #tpu.memory_space<vmem>>, vector<1024x256xf32>
    %dot_general3A_206 = arith.constant dense<0.000000e+00> : vector<2048x1024xf32>
    %dot_general3A_207 = tpu.matmul %add3A, %get3A_205, %dot_general3A_206 {dimension_numbers = #tpu.dot_dimension_numbers<[1], [1], [0], [0], [0, 0, 1, 0], [], []>, transpose_lhs_hint = false} : vector<2048x256xf32>, vector<1024x256xf32>, vector<2048x1024xf32> -> vector<2048x1024xf32>
    %get3A_208 = arith.constant 0 : index
    %get3A_209 = arith.constant 7168 : index
    %get3A_210 = vector.load %arg3[%get3A_208, %get3A_209] : memref<1x8192xf32, #tpu.memory_space<vmem>>, vector<1x1024xf32>
    %sub3A_211 = vector.broadcast %broadcast_in_dim3A : vector<2048x1xf32> to vector<2048x1024xf32>
    %sub3A_212 = arith.subf %sub3A_211, %dot_general3A_207 : vector<2048x1024xf32>
    %add3A_213 = vector.broadcast %get3A_210 : vector<1x1024xf32> to vector<2048x1024xf32>
    %add3A_214 = arith.addf %sub3A_212, %add3A_213 : vector<2048x1024xf32>
    %reduce_min3A_215 = arith.constant dense<0x7F800000> : vector<2048xf32>
    %reduce_min3A_216 = vector.multi_reduction <minimumf>, %add3A_214, %reduce_min3A_215 [1] : vector<2048x1024xf32> to vector<2048xf32>
    %broadcast_in_dim3A_217 = vector.shape_cast %reduce_min3A_216 : vector<2048xf32> to vector<2048x1xf32>
    %eq3A_218 = vector.broadcast %broadcast_in_dim3A_217 : vector<2048x1xf32> to vector<2048x1024xf32>
    %eq3A_219 = arith.cmpf oeq, %add3A_214, %eq3A_218 : vector<2048x1024xf32>
    %jit3A_220 = arith.constant 8.192000e+03 : f32
    %broadcast_in_dim3A_221 = vector.broadcast %jit3A_220 : f32 to vector<2048x1024xf32>
    %select_n3A_222 = arith.select %eq3A_219, %convert_element_type3A, %broadcast_in_dim3A_221 : vector<2048x1024xi1>, vector<2048x1024xf32>
    %reduce_min3A_223 = arith.constant dense<0x7F800000> : vector<2048xf32>
    %reduce_min3A_224 = vector.multi_reduction <minimumf>, %select_n3A_222, %reduce_min3A_223 [1] : vector<2048x1024xf32> to vector<2048xf32>
    %broadcast_in_dim3A_225 = vector.shape_cast %reduce_min3A_224 : vector<2048xf32> to vector<2048x1xf32>
    %add3A_226 = arith.constant 7.168000e+03 : f32
    %add3A_227 = vector.broadcast %add3A_226 : f32 to vector<2048x1xf32>
    %add3A_228 = arith.addf %broadcast_in_dim3A_225, %add3A_227 : vector<2048x1xf32>
    %lt3A_229 = arith.cmpf olt, %broadcast_in_dim3A_217, %select_n3A_202 : vector<2048x1xf32>
    %select_n3A_230 = arith.select %lt3A_229, %add3A_228, %select_n3A_201 : vector<2048x1xi1>, vector<2048x1xf32>
    %select_n3A_231 = arith.select %lt3A_229, %broadcast_in_dim3A_217, %select_n3A_202 : vector<2048x1xi1>, vector<2048x1xf32>
    %convert_element_type3A_232 = arith.fptosi %select_n3A_230 : vector<2048x1xf32> to vector<2048x1xi32>
    %swap3A = arith.constant 0 : index
    %swap3A_233 = arith.constant 0 : index
    %swap3A_234 = vector.load %arg4[%swap3A, %swap3A_233] : memref<2048x1xi32, #tpu.memory_space<vmem>>, vector<2048x1xi32>
    tpu.vector_store %arg4[%swap3A, %swap3A_233], %convert_element_type3A_232 {strides = array<i32>} : memref<2048x1xi32, #tpu.memory_space<vmem>>, vector<2048x1xi32>,
    %eq3A_235 = arith.constant 0 : i32
    %eq3A_236 = arith.cmpi eq, %arg0, %eq3A_235 : i32
    %convert_element_type3A_237 = arith.extui %eq3A_236 : i1 to i32
    %cond3A = arith.constant 0 : i32
    %cond3A_238 = arith.cmpi ne, %convert_element_type3A_237, %cond3A : i32
    scf.if %cond3A_238 {
      %swap3A_256 = arith.constant 0.000000e+00 : f32
      %swap3A_257 = arith.constant 0 : index
      %swap3A_258 = arith.constant 0 : index
      %swap3A_259 = memref.load %arg5[%swap3A_257, %swap3A_258] : memref<1x1xf32, #tpu.memory_space<smem>>
      memref.store %swap3A_256, %arg5[%swap3A_257, %swap3A_258] : memref<1x1xf32, #tpu.memory_space<smem>>
    } else {
    }
    %get3A_239 = arith.constant 0 : index
    %get3A_240 = arith.constant 0 : index
    %get3A_241 = memref.load %arg5[%get3A_239, %get3A_240] : memref<1x1xf32, #tpu.memory_space<smem>>
    %reduce_sum3A_242 = vector.shape_cast %select_n3A_231 : vector<2048x1xf32> to vector<1x2048x1xf32>
    %reduce_sum3A_243 = arith.constant dense<0.000000e+00> : vector<1xf32>
    %reduce_sum3A_244 = vector.multi_reduction <add>, %reduce_sum3A_242, %reduce_sum3A_243 [1, 2] : vector<1x2048x1xf32> to vector<1xf32>
    %reduce_sum3A_245 = vector.shape_cast %reduce_sum3A_244 : vector<1xf32> to vector<1x1x1xf32>
    %reduce_sum3A_246 = vector.extract %reduce_sum3A_245[0, 0, 0] : f32 from vector<1x1x1xf32>
    %add3A_247 = arith.addf %get3A_241, %reduce_sum3A_246 : f32
    %swap3A_248 = arith.constant 0 : index
    %swap3A_249 = arith.constant 0 : index
    %swap3A_250 = memref.load %arg5[%swap3A_248, %swap3A_249] : memref<1x1xf32, #tpu.memory_space<smem>>
    memref.store %add3A_247, %arg5[%swap3A_248, %swap3A_249] : memref<1x1xf32, #tpu.memory_space<smem>>
    %eq3A_251 = arith.constant 15 : i32
    %eq3A_252 = arith.cmpi eq, %arg0, %eq3A_251 : i32
    %convert_element_type3A_253 = arith.extui %eq3A_252 : i1 to i32
    %cond3A_254 = arith.constant 0 : i32
    %cond3A_255 = arith.cmpi ne, %convert_element_type3A_253, %cond3A_254 : i32
    scf.if %cond3A_255 {
      %get3A_256 = arith.constant 0 : index
      %get3A_257 = arith.constant 0 : index
      %get3A_258 = memref.load %arg5[%get3A_256, %get3A_257] : memref<1x1xf32, #tpu.memory_space<smem>>
      %mul3A_259 = arith.constant 1.49011612E-7 : f32
      %mul3A_260 = arith.mulf %get3A_258, %mul3A_259 : f32
      %swap3A_261 = arith.constant 0 : index
      %swap3A_262 = arith.constant 0 : index
      %swap3A_263 = memref.load %arg5[%swap3A_261, %swap3A_262] : memref<1x1xf32, #tpu.memory_space<smem>>
      memref.store %mul3A_260, %arg5[%swap3A_261, %swap3A_262] : memref<1x1xf32, #tpu.memory_space<smem>>
    } else {
    }
    return
  }
  func.func @transform_0(%arg0: i32) -> (i32, i32) {
    %c0_i32 = arith.constant 0 : i32
    %c0_i32_0 = arith.constant 0 : i32
    return %arg0, %c0_i32 : i32, i32
  }
  func.func @transform_1(%arg0: i32) -> (i32, i32) {
    %c0_i32 = arith.constant 0 : i32
    %c0_i32_0 = arith.constant 0 : i32
    %c0_i32_1 = arith.constant 0 : i32
    return %c0_i32, %c0_i32_0 : i32, i32
  }
  func.func @transform_2(%arg0: i32) -> (i32, i32) {
    %c0_i32 = arith.constant 0 : i32
    %c0_i32_0 = arith.constant 0 : i32
    %c0_i32_1 = arith.constant 0 : i32
    return %c0_i32, %c0_i32_0 : i32, i32
  }
  func.func @transform_3(%arg0: i32) -> (i32, i32) {
    %c0_i32 = arith.constant 0 : i32
    %c0_i32_0 = arith.constant 0 : i32
    return %arg0, %c0_i32 : i32, i32
  }
  func.func @transform_4(%arg0: i32) -> (i32, i32) {
    %c0_i32 = arith.constant 0 : i32
    %c0_i32_0 = arith.constant 0 : i32
    %c0_i32_1 = arith.constant 0 : i32
    return %c0_i32, %c0_i32_0 : i32, i32
  }
}

</mosaic_0001>

<sc_bundles>
// kernel: kernel.4.cloned.1.call-start
scs
__scs_entry_jumppad:
0x0: {  	(pc) =	sbr.rel $0x88, $3  }
0x1: {  	(tag) =	ssettag $0x0;
	lr =	simm.s32 $0x1  }
0x2: {  	[smem:$0x3F9F] =	sst lr;
	_ =	strace $0xD0000000  }
0x3: {  	_ = 	snop  }
0x4: {  	_ = 	snop  }
0x5: {  	_ = 	snop  }
0x6: {  	_ = 	snop  }
0x7: {  	_ = 	snop  }
__scs_overlays_trampoline_lowered:
0x8: {  	[smem:$0x3FAE] =	sst s0  }
0x9: {  	[smem:$0x3FAF] =	sst s1  }
0xa: {  	[smem:$0x3FB0] =	sst s2  }
0xb: {  	[smem:$0x3FB1] =	sst s3  }
0xc: {  	[smem:$0x3FB2] =	sst s4  }
0xd: {  	[smem:$0x3FB3] =	sst s5  }
0xe: {  	[smem:$0x3FB4] =	sst s6  }
0xf: {  	[smem:$0x3FB5] =	sst s7  }
0x10: {  	[smem:$0x3FB6] =	sst s8  }
0x11: {  	[smem:$0x3FB7] =	sst s9;
	s0 =	simm.s32 @!p0 $0x0  }
0x12: {  	s1 =	sld [smem:$0x3F9D];
	s0 =	simm.s32 @p0 $0x1  }
0x13: {  	[smem:$0x3FB8] =	sst s0;
	s0 =	simm.s32 @!p1 $0x0  }
0x14: {  	s2 =	sld [smem:$0x3F9C];
	s0 =	simm.s32 @p1 $0x1  }
0x15: {  	[smem:$0x3FB9] =	sst s0;
	s0 =	simm.s32 @!p2 $0x0  }
0x16: {  	s3 =	sld [smem:$0x3FDB];
	s0 =	simm.s32 @p2 $0x1  }
0x17: {  	s4 =	simm.s32 $0x1BF5;
	[smem:$0x3FBB] =	sst s0  }
0x18: {  	s0 =	sld [smem:$0x3F9E];
	_ =	swait.ge [sflag:s4], $0x0  }
0x19: {  	s7 =	sld [smem:$0x3F9F]  }
0x1a: {  	s8 =	sadd.s32 $0xFFFFE003, lr  }
0x1b: {  	s9 =	sadd.s32 $0xFFFFFEF7, lr;
	s5 =	simm.s32 $0xFFFFFFFF;
	p2 =	slt.u32 s8, $0xFFFFF086  }
0x1c: {  	p1 =	slt.u32 s9, $0xF7A;
	s5 =	simm.s32 @!p2 $0x0  }
0x1d: {  	s5 =	simm.s32 @p1 $0x1;
	p0 =	seq.s32 s7, s2  }
0x1e: {  	s7 =	smul.u32 @!p0 $0xF7A, s2;
	p2 =	seq.s32 @!p0 s5, $0x0  }
0x1f: {  	s9 =	smul.u32 $0xF7A, s1;
	s8 =	simm.s32 @!p0 $0x1BF5;
	p2 =	por !p2, p0  }
0x20: {  	[sflag:s8] =	ssyncset.s32 @!p0 $0xFFFFF086;
	s6 =	sadd.s32 @!p0 s3, s7;
	s7 =	simm.s32 @!p0 $0x108  }
0x21: {  	s3 =	sadd.s32 s3, s9;
	s6 =	sadd.s32 @!p0 $0x88, s6;
	s7 =	simm.s32 @p2 $0x1082  }
0x22: {  	[simem:s7], [sflag:s8] =	dma.local @!p0 [hbm:s6], $0xF7A  }
0x23: {  	s9 =	sor.u32 $0xD0000000, s2;
	s6 =	simm.s32 $0x108;
	_ =	swait.ge @!p0 [sflag:s8], $0x0  }
0x24: {  	s3 =	sadd.s32 $0x88, s3;
	s6 =	simm.s32 @!p1 $0x1082;
	[sflag:s4] =	ssyncset.s32 $0xFFFFF086  }
0x25: {  	[simem:s6], [sflag:s4] =	dma.local [hbm:s3], $0xF7A  }
0x26: {  	[smem:$0x3F9F] =	sst s1;
	(tag) =	ssettag s2;
	_ =	strace s9  }
0x27: {  	s1 =	sld [smem:$0x3FAF]  }
0x28: {  	s2 =	sld [smem:$0x3FB0]  }
0x29: {  	s4 =	sld [smem:$0x3FB2]  }
0x2a: {  	p0 =	seq.s32 s5, $0x0;
	s5 =	sld [smem:$0x3FB3]  }
0x2b: {  	s6 =	sld [smem:$0x3FB4]  }
0x2c: {  	s7 =	sld [smem:$0x3FB5]  }
0x2d: {  	s3 =	simm.s32 $0x108;
	s8 =	sld [smem:$0x3FB6]  }
0x2e: {  	s3 =	simm.s32 @!p0 $0x1082;
	s9 =	sld [smem:$0x3FB7]  }
0x2f: {  	lr =	sadd.s32 s0, s3;
	s0 =	sld [smem:$0x3FAE]  }
0x30: {  	s3 =	sld [smem:$0x3FB1]  }
0x31: {  	[smem:$0x3FBA] =	sst s10  }
0x32: {  	s10 =	sld [smem:$0x3FB8];
	_ =	sdelay $0x3  }
0x33: {  	p0 =	seq.s32 s10, $0x1;
	s10 =	sld [smem:$0x3FBA];
	_ =	sdelay $0x3  }
0x34: {  	[smem:$0x3FBA] =	sst s10  }
0x35: {  	s10 =	sld [smem:$0x3FB9];
	_ =	sdelay $0x3  }
0x36: {  	p1 =	seq.s32 s10, $0x1;
	s10 =	sld [smem:$0x3FBA];
	_ =	sdelay $0x3  }
0x37: {  	[smem:$0x3FBA] =	sst s10  }
0x38: {  	s10 =	sld [smem:$0x3FBB]  }
0x39: {  	_ = 	snop;
	(pc) =	sbr.ind lr, $3  }
0x3a: {  	_ = 	snop  }
0x3b: {  	_ = 	snop  }
0x3c: {  	p2 =	seq.s32 s10, $0x1;
	s10 =	sld [smem:$0x3FBA]  }
0x3d: {  	_ =	shalt  }
0x3e: {  	_ =	shalt  }
0x3f: {  	_ =	shalt  }
0x40: {  	_ =	shalt  }
0x41: {  	_ =	shalt  }
0x42: {  	_ =	shalt  }
0x43: {  	_ =	shalt  }
0x44: {  	_ =	shalt  }
0x45: {  	_ =	shalt  }
0x46: {  	_ =	shalt  }
0x47: {  	_ =	shalt  }
0x48: {  	_ =	shalt  }
0x49: {  	_ =	shalt  }
0x4a: {  	_ =	shalt  }
0x4b: {  	_ =	shalt  }
0x4c: {  	_ =	shalt  }
0x4d: {  	_ =	shalt  }
0x4e: {  	_ =	shalt  }
0x4f: {  	_ =	shalt  }
0x50: {  	_ =	shalt  }
0x51: {  	_ =	shalt  }
0x52: {  	_ =	shalt  }
0x53: {  	_ =	shalt  }
0x54: {  	_ =	shalt  }
0x55: {  	_ =	shalt  }
0x56: {  	_ =	shalt  }
0x57: {  	_ =	shalt  }
0x58: {  	_ =	shalt  }
0x59: {  	_ =	shalt  }
0x5a: {  	_ =	shalt  }
0x5b: {  	_ =	shalt  }
0x5c: {  	_ =	shalt  }
0x5d: {  	_ =	shalt  }
0x5e: {  	_ =	shalt  }
0x5f: {  	_ =	shalt  }
0x60: {  	_ =	shalt  }
0x61: {  	_ =	shalt  }
0x62: {  	_ =	shalt  }
0x63: {  	_ =	shalt  }
0x64: {  	_ =	shalt  }
0x65: {  	_ =	shalt  }
0x66: {  	_ =	shalt  }
0x67: {  	_ =	shalt  }
0x68: {  	_ =	shalt  }
0x69: {  	_ =	shalt  }
0x6a: {  	_ =	shalt  }
0x6b: {  	_ =	shalt  }
0x6c: {  	_ =	shalt  }
0x6d: {  	_ =	shalt  }
0x6e: {  	_ =	shalt  }
0x6f: {  	_ =	shalt  }
0x70: {  	_ =	shalt  }
0x71: {  	_ =	shalt  }
0x72: {  	_ =	shalt  }
0x73: {  	_ =	shalt  }
0x74: {  	_ =	shalt  }
0x75: {  	_ =	shalt  }
0x76: {  	_ =	shalt  }
0x77: {  	_ =	shalt  }
0x78: {  	_ =	shalt  }
0x79: {  	_ =	shalt  }
0x7a: {  	_ =	shalt  }
0x7b: {  	_ =	shalt  }
0x7c: {  	_ =	shalt  }
0x7d: {  	_ =	shalt  }
0x7e: {  	_ =	shalt  }
0x7f: {  	_ =	shalt  }
0x80: {  	_ =	shalt  }
0x81: {  	_ =	shalt  }
0x82: {  	_ =	shalt  }
0x83: {  	_ =	shalt  }
0x84: {  	_ =	shalt  }
0x85: {  	_ =	shalt  }
0x86: {  	_ =	shalt  }
0x87: {  	_ =	shalt  }
.Lfunc_end0:
.L_simem_size_0:
called_computation_lowered:
.L_overlay_start_0:
0x88: {  	s2 =	sld [smem:$0x3FD9]  }
0x89: {  	s3 =	sld [smem:$0x3FFE];
	_ =	sdelay $0x1  }
0x8a: {  	s1 =	srdreg.scid  }
0x8b: {  	s0 =	sand.u32 $0x1, s1  }
0x8c: {  	s14 =	sshll.u32 s0, $0xA;
	s2 =	sadd.s32 s3, s2  }
0x8d: {  	s2 =	sadd.s32 s2, s14  }
0x8e: {  	[smem:$0x3FC6] =	sst s2  }
0x8f: {  	_ = 	snop  }
0x90: {  	s2 =	sld [smem:$0x3FD0];
	_ =	sdelay $0x2  }
0x91: {  	s4 =	simm.s32 $0xA;
	s5 =	simm.s32 $0x10;
	s15 =	sld [smem:$0x3FC8]  }
0x92: {  	[smem:s5], [sflag:s4] =	dma.local [hbm:s2], $0x1  }
0x93: {  	_ =	swait.eq [sflag:s4], $0x1  }
0x94: {  	[sflag:s4] =	ssyncset.done $0x0  }
0x95: {  	[sflag:s4] =	ssyncadd.s32 $0xFFFFFFFF  }
0x96: {  	s16 =	sld [smem:$0x10];
	(tm) =	ssettm $0x1  }
0x97: {  	s17 =	sld [smem:$0x3FFB];
	_ =	sdelay $0x3  }
0x98: {  	_ =	strace s17  }
0x99: {  	s4 =	sld [smem:$0x3FFC];
	_ =	sdelay $0x3  }
0x9a: {  	_ =	strace s4  }
0x9b: {  	s4 =	sld [smem:$0x3FFD];
	_ =	sdelay $0x3  }
0x9c: {  	_ =	strace s4  }
0x9d: {  	_ =	strace $0x8FFFFFFF  }
0x9e: {  	s18 =	sld [smem:$0x3FDB];
	_ =	sdelay $0x1  }
0x9f: {  	s19 =	simm.s32 $_scs_section_size  }
0xa0: {  	s6 =	simm.s32 $_size__tile_overlayer_lowered;
	s7 =	simm.s32 $_tile_overlayer_lowered  }
0xa1: {  	s22 =	simm.s32 $0x1BFF;
	s21 =	sshll.u32 s7, $0x1;
	s4 =	sadd.s32 s19, s18  }
0xa2: {  	s8 =	simm.s32 $0x0;
	s20 =	sshll.u32 s6, $0x1;
	s6 =	sadd.s32 s21, s4  }
0xa3: {  	[timem:s8], [sflag:s22] =	dma.local [hbm:s6], s20  }
0xa4: {  	_ =	swait.ge [sflag:s22], s20  }
0xa5: {  	s5 =	ssub.s32 $0x0, s20;
	[sflag:s22] =	ssyncset.done $0x0  }
0xa6: {  	[sflag:s22] =	ssyncadd.s32 s5;
	_ =	sdelay $0x1  }
0xa7: {  	s23 =	simm.s32 $0x1B8B  }
0xa8: {  	_ =	swait.ge [sflag:s23], $0x1  }
0xa9: {  	[sflag:s23] =	ssyncset.done $0x0  }
0xaa: {  	s25 =	simm.s32 $0x1B8E;
	s24 =	sld [smem:$0x3FFE];
	[sflag:s23] =	ssyncadd.s32 $0xFFFFFFFF  }
0xab: {  	s26 =	simm.s32 $execute0_lowered;
	[smem:$0x3FD2] =	sst s25  }
0xac: {  	s6 =	sshll.u32 s26, $0x1;
	_ =	strace $0x80000046;
	[dreg:$0x1] =	wrdreg $0xFFFFFFFF  }
0xad: {  	s28 =	simm.s32 $_size_execute0_lowered;
	s4 =	sadd.s32 s4, s6;
	[dreg:$0x0] =	wrdreg $0x0  }
0xae: {  	s6 =	sshll.u32 s28, $0x1;
	[dreg:$0x2] =	wrdreg s4  }
0xaf: {  	[dreg:$0x3] =	wrdreg s6  }
0xb0: {  	[dreg:$0x4] =	wrdreg $0xC0  }
0xb1: {  	_ =	task [dreg:s8], $0x5FFFF  }
0xb2: {  	[dreg:$0x1] =	wrdreg $0xFFFFFFFF  }
0xb3: {  	[dreg:$0x0] =	wrdreg $0x60  }
0xb4: {  	[dreg:$0x2] =	wrdreg s15  }
0xb5: {  	[dreg:$0x3] =	wrdreg s24  }
0xb6: {  	[dreg:$0x4] =	wrdreg s16  }
0xb7: {  	[dreg:$0x5] =	wrdreg $0x9  }
0xb8: {  	_ =	task.clear_ibuf [dreg:s8], $0x6FFFF;
	_ =	strace $0x90000046  }
0xb9: {  	s29 =	simm.s32 $0x9;
	_ =	strace $0x80000048  }
0xba: {  	_ =	swait.ge [sflag:s29], $0x1  }
0xbb: {  	[sflag:s29] =	ssyncadd.s32 $0xFFFFFFFF  }
0xbc: {  	_ =	strace $0x90000048  }
0xbd: {  	_ =	sfence  }
0xbe: {  	s30 =	sld [smem:$0x0];
	_ =	sdelay $0x2  }
0xbf: {  	s31 =	sshll.u32 s1, $0xD;
	s1 =	sshrl.u32 s1, $0x2  }
0xc0: {  	s3 =	sand.u32 $0x4000, s31;
	s1 =	sadd.s32 s1, s30  }
0xc1: {  	s0 =	sor.u32 s3, s0;
	s1 =	sshll.u32 s1, $0x11  }
0xc2: {  	s0 =	sor.u32 s1, s0  }
0xc3: {  	s0 =	sadd.s32 $0x8F2B, s0  }
0xc4: {  	[sflag:s0] =	ssyncadd.remote.s32 $0x1  }
0xc5: {  	_ =	sfence.sel $0xFFFF  }
0xc6: {  	[dreg:$0x0] =	wrdreg $0xFFFFFFFF;
	(pc) =	sbr.abs _section_cstart, $3  }
0xc7: {  	[dreg:$0x1] =	wrdreg $0xFFFFFFFF  }
0xc8: {  	_ =	task.clear_ibuf [dreg:s8], $0x2FFFF;
	_ =	strace $0x9FFFFFFF  }
0xc9: {  	(tm) =	ssettm $0x7FFFFFFF  }
tec
execute0_lowered:
.L_overlay_start_1:
0x0: {  	(tag) =	ssettag $0x1  }
0x1: {  	s1 =	rddreg [dreg:$0x0];
	s0 =	srdreg.scid  }
0x2: {  	s2 =	rddreg [dreg:$0x1];
	s3 =	stileid.u32  }
0x3: {  	s29 =	simm.s32 $0x100;
	s4 =	sand.u32 $0x1, s0;
	s0 =	rddreg [dreg:$0x2]  }
0x4: {  	s5 =	sshll.u32 s3, $0xB;
	s3 =	simm.s32 $0x0;
	s6 =	sshll.u32 s4, $0xA  }
0x5: {  	[smem:$0x7FF] =	sst s3;
	s4 =	ssub.s32 $0x2, s4;
	s5 =	sor.u32 s6, s5  }
0x6: {  	_ =	strace $0x80000047;
	s24 =	sshrl.u32 s4, $0x1;
	s6 =	sshrl.u32 s5, $0x3  }
0x7: {  	s7 =	sor.u32 $0x80, s5;
	s28 =	sshll.u32 s5, $0x5;
	s31 =	sor.u32 $0x100, s5  }
0x8: {  	s15 =	sor.u32 $0x200, s5;
	s18 =	sor.u32 $0x280, s5;
	s23 =	sor.u32 $0x300, s5  }
0x9: {  	s4 =	ssub.s32 s4, s24;
	s6 =	sadd.s32 s2, s6;
	s8 =	sshrl.u32 s7, $0x3  }
0xa: {  	s30 =	sadd.s32 s0, s28;
	s9 =	sshrl.u32 s31, $0x3;
	s7 =	sshll.u32 s7, $0x5  }
0xb: {  	s13 =	sshll.u32 s31, $0x5;
	s16 =	sshrl.u32 s15, $0x3;
	[dreg:$0x4] =	wrdreg s6  }
0xc: {  	s20 =	sshrl.u32 s18, $0x3;
	s26 =	sadd.s32 s2, s8;
	[dreg:$0x6] =	wrdreg s30  }
0xd: {  	s25 =	sshrl.u32 s23, $0x3;
	s6 =	sadd.s32 s2, s9;
	[dreg:$0x5] =	wrdreg s26  }
0xe: {  	s4 =	smax.u32 s4, $0x1;
	s10 =	sadd.s32 s0, s7;
	[dreg:$0x7] =	wrdreg s6  }
0xf: {  	s9 =	sor.u32 $0x180, s5;
	s14 =	sadd.s32 s0, s13;
	[dreg:$0x8] =	wrdreg s10  }
0x10: {  	s21 =	sadd.s32 s2, s20;
	s7 =	sshll.u32 s15, $0x5;
	[dreg:$0xa] =	wrdreg s14  }
0x11: {  	s5 =	sor.u32 $0x380, s5;
	s6 =	sadd.s32 s2, s16;
	[dreg:$0xd] =	wrdreg s21  }
0x12: {  	s30 =	sshll.u32 s23, $0x5;
	s22 =	sadd.s32 s0, s7;
	[dreg:$0xb] =	wrdreg s6  }
0x13: {  	s11 =	sshrl.u32 s9, $0x3;
	s31 =	sadd.s32 s0, s30;
	[dreg:$0xe] =	wrdreg s22  }
0x14: {  	s17 =	sshll.u32 s9, $0x5;
	s12 =	sadd.s32 s2, s11;
	[dreg:$0x12] =	wrdreg s31  }
0x15: {  	s23 =	simm.s32 $0x8100;
	s19 =	sadd.s32 s0, s17;
	[dreg:$0x9] =	wrdreg s12  }
0x16: {  	s9 =	sshll.u32 s18, $0x5;
	s6 =	sadd.s32 s2, s25;
	[dreg:$0xc] =	wrdreg s19  }
0x17: {  	s28 =	sshrl.u32 s5, $0x3;
	s26 =	sadd.s32 s0, s9;
	[dreg:$0xf] =	wrdreg s6  }
0x18: {  	v2 =	vlaneseq.u32;
	s5 =	sshll.u32 s5, $0x5;
	s2 =	sadd.s32 s2, s28;
	[dreg:$0x10] =	wrdreg s26  }
0x19: {  	vm0 =	vmmov $0xffff;
	v1 =	vshrl.u32 v2, $0x3;
	s13 =	simm.s32 $0x1;
	s0 =	sadd.s32 s0, s5;
	[dreg:$0x11] =	wrdreg s2  }
0x1a: {  	v0 =	vand.u32 $0x7, v2;
	v2 =	vor.u32 $0x8, v2;
	v1 =	vmul.u32 $0x8, v1;
	s14 =	simm.s32 $0x2;
	s5 =	simm.s32 $0x3;
	[dreg:$0x13] =	wrdreg s0  }
.LBB2_1:
0x1b: {  	s15 =	rddreg [dreg:$0x4]  }
0x1c: {  	[tilespmem:s3], [sflag:$0x3] =	stream.linear.gather [hbm4b:s15+s3], $0x80, $0x38;
	[tilespmem:$0x10100] =	vst v63  }
0x1d: {  	_ =	swait.ge [sflag:s5], $0x80  }
0x1e: {  	[sflag:s5] =	ssyncset.done $0x0  }
0x1f: {  	[sflag:s5] =	ssyncadd.s32 $0xFFFFFF80  }
0x20: {  	v3 =	vld [tilespmem:$0x0];
	_ =	sdelay $0x4  }
0x21: {  	v4 =	vshll.u32 v3, $0x1  }
0x22: {  	v3 =	vand.u32 $0x7, v3;
	v4 =	vand.u32 $0xFFFFFFF0, v4  }
0x23: {  	v3 =	vor.u32 v3, v4  }
0x24: {  	v4 =	vperm.xlane v3, v0;
	_ =	sdelay $0x1  }
0x25: {  	v3 =	vperm.xlane v3, v2;
	v4 =	vadd.s32 v1, v4;
	_ =	sdelay $0x1  }
0x26: {  	v3 =	vadd.s32 v1, v3;
	_ =	sdelay $0x2  }
0x27: {  	[tilespmem:s29], [sflag:$0x1] =	stream.indirect_vreg.gather [hbm4b:s1+s3], $0x80, v4, vm0, $0xb8;
	[tilespmem:$0x10100] =	vst v63  }
0x28: {  	s0 =	simm.s32 $0x900  }
0x29: {  	[tilespmem:s0], [sflag:$0x1] =	stream.indirect_vreg.gather [hbm4b:s1+s3], $0x80, v3, vm0, $0xb8;
	[tilespmem:$0x10100] =	vst v63  }
0x2a: {  	v3 =	vld [tilespmem:$0x10];
	_ =	sdelay $0x4  }
0x2b: {  	v57 =	vshll.u32 v3, $0x1  }
0x2c: {  	v3 =	vand.u32 $0x7, v3;
	v4 =	vand.u32 $0xFFFFFFF0, v57  }
0x2d: {  	v3 =	vor.u32 v3, v4  }
0x2e: {  	v4 =	vperm.xlane v3, v0;
	_ =	sdelay $0x1  }
0x2f: {  	v3 =	vperm.xlane v3, v2;
	v4 =	vadd.s32 v1, v4;
	_ =	sdelay $0x1  }
0x30: {  	v3 =	vadd.s32 v1, v3;
	_ =	sdelay $0x1  }
0x31: {  	s26 =	simm.s32 $0x1100  }
0x32: {  	[tilespmem:s26], [sflag:$0x1] =	stream.indirect_vreg.gather [hbm4b:s1+s3], $0x80, v4, vm0, $0xb8;
	[tilespmem:$0x10100] =	vst v63  }
0x33: {  	s28 =	simm.s32 $0x1900  }
0x34: {  	[tilespmem:s28], [sflag:$0x1] =	stream.indirect_vreg.gather [hbm4b:s1+s3], $0x80, v3, vm0, $0xb8;
	[tilespmem:$0x10100] =	vst v63  }
0x35: {  	v3 =	vld [tilespmem:$0x20];
	_ =	sdelay $0x4  }
0x36: {  	v58 =	vshll.u32 v3, $0x1  }
0x37: {  	v3 =	vand.u32 $0x7, v3;
	v4 =	vand.u32 $0xFFFFFFF0, v58  }
0x38: {  	v3 =	vor.u32 v3, v4  }
0x39: {  	v4 =	vperm.xlane v3, v0;
	_ =	sdelay $0x1  }
0x3a: {  	v3 =	vperm.xlane v3, v2;
	v4 =	vadd.s32 v1, v4;
	_ =	sdelay $0x1  }
0x3b: {  	v3 =	vadd.s32 v1, v3;
	_ =	sdelay $0x1  }
0x3c: {  	s30 =	simm.s32 $0x2100  }
0x3d: {  	[tilespmem:s30], [sflag:$0x1] =	stream.indirect_vreg.gather [hbm4b:s1+s3], $0x80, v4, vm0, $0xb8;
	[tilespmem:$0x10100] =	vst v63  }
0x3e: {  	s31 =	simm.s32 $0x2900  }
0x3f: {  	[tilespmem:s31], [sflag:$0x1] =	stream.indirect_vreg.gather [hbm4b:s1+s3], $0x80, v3, vm0, $0xb8;
	[tilespmem:$0x10100] =	vst v63  }
0x40: {  	v3 =	vld [tilespmem:$0x30];
	_ =	sdelay $0x4  }
0x41: {  	v59 =	vshll.u32 v3, $0x1  }
0x42: {  	v3 =	vand.u32 $0x7, v3;
	v4 =	vand.u32 $0xFFFFFFF0, v59  }
0x43: {  	v3 =	vor.u32 v3, v4  }
0x44: {  	v4 =	vperm.xlane v3, v0;
	_ =	sdelay $0x1  }
0x45: {  	v3 =	vperm.xlane v3, v2;
	v4 =	vadd.s32 v1, v4;
	_ =	sdelay $0x1  }
0x46: {  	v3 =	vadd.s32 v1, v3;
	_ =	sdelay $0x1  }
0x47: {  	s7 =	simm.s32 $0x3100  }
0x48: {  	[tilespmem:s7], [sflag:$0x1] =	stream.indirect_vreg.gather [hbm4b:s1+s3], $0x80, v4, vm0, $0xb8;
	[tilespmem:$0x10100] =	vst v63  }
0x49: {  	s10 =	simm.s32 $0x3900  }
0x4a: {  	[tilespmem:s10], [sflag:$0x1] =	stream.indirect_vreg.gather [hbm4b:s1+s3], $0x80, v3, vm0, $0xb8;
	[tilespmem:$0x10100] =	vst v63  }
0x4b: {  	v3 =	vld [tilespmem:$0x40];
	_ =	sdelay $0x4  }
0x4c: {  	v60 =	vshll.u32 v3, $0x1  }
0x4d: {  	v3 =	vand.u32 $0x7, v3;
	v4 =	vand.u32 $0xFFFFFFF0, v60  }
0x4e: {  	v3 =	vor.u32 v3, v4  }
0x4f: {  	v4 =	vperm.xlane v3, v0;
	_ =	sdelay $0x1  }
0x50: {  	v3 =	vperm.xlane v3, v2;
	v4 =	vadd.s32 v1, v4;
	_ =	sdelay $0x1  }
0x51: {  	v3 =	vadd.s32 v1, v3;
	_ =	sdelay $0x1  }
0x52: {  	s11 =	simm.s32 $0x4100  }
0x53: {  	[tilespmem:s11], [sflag:$0x1] =	stream.indirect_vreg.gather [hbm4b:s1+s3], $0x80, v4, vm0, $0xb8;
	[tilespmem:$0x10100] =	vst v63  }
0x54: {  	s12 =	simm.s32 $0x4900  }
0x55: {  	[tilespmem:s12], [sflag:$0x1] =	stream.indirect_vreg.gather [hbm4b:s1+s3], $0x80, v3, vm0, $0xb8;
	[tilespmem:$0x10100] =	vst v63  }
0x56: {  	v3 =	vld [tilespmem:$0x50];
	_ =	sdelay $0x4  }
0x57: {  	v61 =	vshll.u32 v3, $0x1  }
0x58: {  	v3 =	vand.u32 $0x7, v3;
	v4 =	vand.u32 $0xFFFFFFF0, v61  }
0x59: {  	v3 =	vor.u32 v3, v4  }
0x5a: {  	v4 =	vperm.xlane v3, v0;
	_ =	sdelay $0x1  }
0x5b: {  	v3 =	vperm.xlane v3, v2;
	v4 =	vadd.s32 v1, v4;
	_ =	sdelay $0x1  }
0x5c: {  	v3 =	vadd.s32 v1, v3;
	_ =	sdelay $0x1  }
0x5d: {  	s15 =	simm.s32 $0x5100  }
0x5e: {  	[tilespmem:s15], [sflag:$0x1] =	stream.indirect_vreg.gather [hbm4b:s1+s3], $0x80, v4, vm0, $0xb8;
	[tilespmem:$0x10100] =	vst v63  }
0x5f: {  	s16 =	simm.s32 $0x5900  }
0x60: {  	[tilespmem:s16], [sflag:$0x1] =	stream.indirect_vreg.gather [hbm4b:s1+s3], $0x80, v3, vm0, $0xb8;
	[tilespmem:$0x10100] =	vst v63  }
0x61: {  	v3 =	vld [tilespmem:$0x60];
	_ =	sdelay $0x4  }
0x62: {  	v62 =	vshll.u32 v3, $0x1  }
0x63: {  	v3 =	vand.u32 $0x7, v3;
	v4 =	vand.u32 $0xFFFFFFF0, v62  }
0x64: {  	v3 =	vor.u32 v3, v4  }
0x65: {  	v4 =	vperm.xlane v3, v0;
	_ =	sdelay $0x1  }
0x66: {  	v3 =	vperm.xlane v3, v2;
	v4 =	vadd.s32 v1, v4;
	_ =	sdelay $0x1  }
0x67: {  	v3 =	vadd.s32 v1, v3;
	_ =	sdelay $0x1  }
0x68: {  	s17 =	simm.s32 $0x6100  }
0x69: {  	[tilespmem:s17], [sflag:$0x1] =	stream.indirect_vreg.gather [hbm4b:s1+s3], $0x80, v4, vm0, $0xb8;
	[tilespmem:$0x10100] =	vst v63  }
0x6a: {  	s18 =	simm.s32 $0x6900  }
0x6b: {  	[tilespmem:s18], [sflag:$0x1] =	stream.indirect_vreg.gather [hbm4b:s1+s3], $0x80, v3, vm0, $0xb8;
	[tilespmem:$0x10100] =	vst v63  }
0x6c: {  	v3 =	vld [tilespmem:$0x70];
	_ =	sdelay $0x4  }
0x6d: {  	v63 =	vshll.u32 v3, $0x1  }
0x6e: {  	v3 =	vand.u32 $0x7, v3;
	v4 =	vand.u32 $0xFFFFFFF0, v63  }
0x6f: {  	v3 =	vor.u32 v3, v4  }
0x70: {  	v4 =	vperm.xlane v3, v0;
	_ =	sdelay $0x1  }
0x71: {  	v3 =	vperm.xlane v3, v2;
	v4 =	vadd.s32 v1, v4;
	_ =	sdelay $0x1  }
0x72: {  	v3 =	vadd.s32 v1, v3;
	_ =	sdelay $0x1  }
0x73: {  	s19 =	simm.s32 $0x7100  }
0x74: {  	[tilespmem:s19], [sflag:$0x1] =	stream.indirect_vreg.gather [hbm4b:s1+s3], $0x80, v4, vm0, $0xb8;
	[tilespmem:$0x10100] =	vst v63  }
0x75: {  	s21 =	simm.s32 $0x7900  }
0x76: {  	[tilespmem:s21], [sflag:$0x1] =	stream.indirect_vreg.gather [hbm4b:s1+s3], $0x80, v3, vm0, $0xb8;
	[tilespmem:$0x10100] =	vst v63  }
0x77: {  	s22 =	simm.s32 $0x80;
	s20 =	rddreg [dreg:$0x5]  }
0x78: {  	[tilespmem:s22], [sflag:$0x3] =	stream.linear.gather [hbm4b:s20+s3], $0x80, $0x38;
	[tilespmem:$0x10100] =	vst v63  }
0x79: {  	_ =	swait.ge [sflag:s5], $0x80  }
0x7a: {  	[sflag:s5] =	ssyncset.done $0x0  }
0x7b: {  	[sflag:s5] =	ssyncadd.s32 $0xFFFFFF80  }
0x7c: {  	v3 =	vld [tilespmem:$0x80];
	_ =	sdelay $0x4  }
0x7d: {  	v8 =	vshll.u32 v3, $0x1  }
0x7e: {  	v3 =	vand.u32 $0x7, v3;
	v4 =	vand.u32 $0xFFFFFFF0, v8  }
0x7f: {  	v3 =	vor.u32 v3, v4  }
0x80: {  	v4 =	vperm.xlane v3, v0;
	_ =	sdelay $0x1  }
0x81: {  	v3 =	vperm.xlane v3, v2;
	v4 =	vadd.s32 v1, v4;
	_ =	sdelay $0x1  }
0x82: {  	v3 =	vadd.s32 v1, v3;
	_ =	sdelay $0x2  }
0x83: {  	[tilespmem:s23], [sflag:$0x2] =	stream.indirect_vreg.gather [hbm4b:s1+s3], $0x80, v4, vm0, $0xb8;
	[tilespmem:$0x10100] =	vst v63  }
0x84: {  	s24 =	simm.s32 $0x8900  }
0x85: {  	[tilespmem:s24], [sflag:$0x2] =	stream.indirect_vreg.gather [hbm4b:s1+s3], $0x80, v3, vm0, $0xb8;
	[tilespmem:$0x10100] =	vst v63  }
0x86: {  	v3 =	vld [tilespmem:$0x90];
	_ =	sdelay $0x4  }
0x87: {  	v9 =	vshll.u32 v3, $0x1  }
0x88: {  	v3 =	vand.u32 $0x7, v3;
	v4 =	vand.u32 $0xFFFFFFF0, v9  }
0x89: {  	v3 =	vor.u32 v3, v4  }
0x8a: {  	v4 =	vperm.xlane v3, v0;
	_ =	sdelay $0x1  }
0x8b: {  	v3 =	vperm.xlane v3, v2;
	v4 =	vadd.s32 v1, v4;
	_ =	sdelay $0x1  }
0x8c: {  	v3 =	vadd.s32 v1, v3;
	_ =	sdelay $0x1  }
0x8d: {  	s25 =	simm.s32 $0x9100  }
0x8e: {  	[tilespmem:s25], [sflag:$0x2] =	stream.indirect_vreg.gather [hbm4b:s1+s3], $0x80, v4, vm0, $0xb8;
	[tilespmem:$0x10100] =	vst v63  }
0x8f: {  	s26 =	simm.s32 $0x9900  }
0x90: {  	[tilespmem:s26], [sflag:$0x2] =	stream.indirect_vreg.gather [hbm4b:s1+s3], $0x80, v3, vm0, $0xb8;
	[tilespmem:$0x10100] =	vst v63  }
0x91: {  	v3 =	vld [tilespmem:$0xA0];
	_ =	sdelay $0x4  }
0x92: {  	v10 =	vshll.u32 v3, $0x1  }
0x93: {  	v3 =	vand.u32 $0x7, v3;
	v4 =	vand.u32 $0xFFFFFFF0, v10  }
0x94: {  	v3 =	vor.u32 v3, v4  }
0x95: {  	v4 =	vperm.xlane v3, v0;
	_ =	sdelay $0x1  }
0x96: {  	v3 =	vperm.xlane v3, v2;
	v4 =	vadd.s32 v1, v4;
	_ =	sdelay $0x1  }
0x97: {  	v3 =	vadd.s32 v1, v3;
	_ =	sdelay $0x1  }
0x98: {  	s28 =	simm.s32 $0xA100  }
0x99: {  	[tilespmem:s28], [sflag:$0x2] =	stream.indirect_vreg.gather [hbm4b:s1+s3], $0x80, v4, vm0, $0xb8;
	[tilespmem:$0x10100] =	vst v63  }
0x9a: {  	s30 =	simm.s32 $0xA900  }
0x9b: {  	[tilespmem:s30], [sflag:$0x2] =	stream.indirect_vreg.gather [hbm4b:s1+s3], $0x80, v3, vm0, $0xb8;
	[tilespmem:$0x10100] =	vst v63  }
0x9c: {  	v3 =	vld [tilespmem:$0xB0];
	_ =	sdelay $0x4  }
0x9d: {  	v11 =	vshll.u32 v3, $0x1  }
0x9e: {  	v3 =	vand.u32 $0x7, v3;
	v4 =	vand.u32 $0xFFFFFFF0, v11  }
0x9f: {  	v3 =	vor.u32 v3, v4  }
0xa0: {  	v4 =	vperm.xlane v3, v0;
	_ =	sdelay $0x1  }
0xa1: {  	v3 =	vperm.xlane v3, v2;
	v4 =	vadd.s32 v1, v4;
	_ =	sdelay $0x1  }
0xa2: {  	v3 =	vadd.s32 v1, v3;
	_ =	sdelay $0x1  }
0xa3: {  	s31 =	simm.s32 $0xB100  }
0xa4: {  	[tilespmem:s31], [sflag:$0x2] =	stream.indirect_vreg.gather [hbm4b:s1+s3], $0x80, v4, vm0, $0xb8;
	[tilespmem:$0x10100] =	vst v63  }
0xa5: {  	s11 =	simm.s32 $0xB900  }
0xa6: {  	[tilespmem:s11], [sflag:$0x2] =	stream.indirect_vreg.gather [hbm4b:s1+s3], $0x80, v3, vm0, $0xb8;
	[tilespmem:$0x10100] =	vst v63  }
0xa7: {  	v3 =	vld [tilespmem:$0xC0];
	_ =	sdelay $0x4  }
0xa8: {  	v12 =	vshll.u32 v3, $0x1  }
0xa9: {  	v3 =	vand.u32 $0x7, v3;
	v4 =	vand.u32 $0xFFFFFFF0, v12  }
0xaa: {  	v3 =	vor.u32 v3, v4  }
0xab: {  	v4 =	vperm.xlane v3, v0;
	_ =	sdelay $0x1  }
0xac: {  	v3 =	vperm.xlane v3, v2;
	v4 =	vadd.s32 v1, v4;
	_ =	sdelay $0x1  }
0xad: {  	v3 =	vadd.s32 v1, v3;
	_ =	sdelay $0x1  }
0xae: {  	s12 =	simm.s32 $0xC100  }
0xaf: {  	[tilespmem:s12], [sflag:$0x2] =	stream.indirect_vreg.gather [hbm4b:s1+s3], $0x80, v4, vm0, $0xb8;
	[tilespmem:$0x10100] =	vst v63  }
0xb0: {  	s16 =	simm.s32 $0xC900  }
0xb1: {  	[tilespmem:s16], [sflag:$0x2] =	stream.indirect_vreg.gather [hbm4b:s1+s3], $0x80, v3, vm0, $0xb8;
	[tilespmem:$0x10100] =	vst v63  }
0xb2: {  	v3 =	vld [tilespmem:$0xD0];
	_ =	sdelay $0x4  }
0xb3: {  	v13 =	vshll.u32 v3, $0x1  }
0xb4: {  	v3 =	vand.u32 $0x7, v3;
	v4 =	vand.u32 $0xFFFFFFF0, v13  }
0xb5: {  	v3 =	vor.u32 v3, v4  }
0xb6: {  	v4 =	vperm.xlane v3, v0;
	_ =	sdelay $0x1  }
0xb7: {  	v3 =	vperm.xlane v3, v2;
	v4 =	vadd.s32 v1, v4;
	_ =	sdelay $0x1  }
0xb8: {  	v3 =	vadd.s32 v1, v3;
	_ =	sdelay $0x1  }
0xb9: {  	s17 =	simm.s32 $0xD100  }
0xba: {  	[tilespmem:s17], [sflag:$0x2] =	stream.indirect_vreg.gather [hbm4b:s1+s3], $0x80, v4, vm0, $0xb8;
	[tilespmem:$0x10100] =	vst v63  }
0xbb: {  	s18 =	simm.s32 $0xD900  }
0xbc: {  	[tilespmem:s18], [sflag:$0x2] =	stream.indirect_vreg.gather [hbm4b:s1+s3], $0x80, v3, vm0, $0xb8;
	[tilespmem:$0x10100] =	vst v63  }
0xbd: {  	v3 =	vld [tilespmem:$0xE0];
	_ =	sdelay $0x4  }
0xbe: {  	v14 =	vshll.u32 v3, $0x1  }
0xbf: {  	v3 =	vand.u32 $0x7, v3;
	v4 =	vand.u32 $0xFFFFFFF0, v14  }
0xc0: {  	v3 =	vor.u32 v3, v4  }
0xc1: {  	v4 =	vperm.xlane v3, v0;
	_ =	sdelay $0x1  }
0xc2: {  	v3 =	vperm.xlane v3, v2;
	v4 =	vadd.s32 v1, v4;
	_ =	sdelay $0x1  }
0xc3: {  	v3 =	vadd.s32 v1, v3;
	_ =	sdelay $0x1  }
0xc4: {  	s22 =	simm.s32 $0xE100  }
0xc5: {  	[tilespmem:s22], [sflag:$0x2] =	stream.indirect_vreg.gather [hbm4b:s1+s3], $0x80, v4, vm0, $0xb8;
	[tilespmem:$0x10100] =	vst v63  }
0xc6: {  	s25 =	simm.s32 $0xE900  }
0xc7: {  	[tilespmem:s25], [sflag:$0x2] =	stream.indirect_vreg.gather [hbm4b:s1+s3], $0x80, v3, vm0, $0xb8;
	[tilespmem:$0x10100] =	vst v63  }
0xc8: {  	v3 =	vld [tilespmem:$0xF0];
	_ =	sdelay $0x4  }
0xc9: {  	v15 =	vshll.u32 v3, $0x1  }
0xca: {  	v3 =	vand.u32 $0x7, v3;
	v4 =	vand.u32 $0xFFFFFFF0, v15  }
0xcb: {  	v3 =	vor.u32 v3, v4  }
0xcc: {  	v4 =	vperm.xlane v3, v0;
	_ =	sdelay $0x1  }
0xcd: {  	v3 =	vperm.xlane v3, v2;
	v4 =	vadd.s32 v1, v4;
	_ =	sdelay $0x1  }
0xce: {  	v3 =	vadd.s32 v1, v3;
	_ =	sdelay $0x1  }
0xcf: {  	s26 =	simm.s32 $0xF100  }
0xd0: {  	[tilespmem:s26], [sflag:$0x2] =	stream.indirect_vreg.gather [hbm4b:s1+s3], $0x80, v4, vm0, $0xb8;
	[tilespmem:$0x10100] =	vst v63  }
0xd1: {  	s28 =	simm.s32 $0xF900  }
0xd2: {  	[tilespmem:s28], [sflag:$0x2] =	stream.indirect_vreg.gather [hbm4b:s1+s3], $0x80, v3, vm0, $0xb8;
	[tilespmem:$0x10100] =	vst v63  }
0xd3: {  	_ =	swait.ge [sflag:s13], $0x8000  }
0xd4: {  	[sflag:s13] =	ssyncset.done $0x0  }
0xd5: {  	s30 =	rddreg [dreg:$0x6];
	[sflag:s13] =	ssyncadd.s32 $0xFFFF8000  }
0xd6: {  	[hbm4b:s30+s3] =	stream.linear.scatter [tilespmem:s29], [sflag:$0x3], $0x8000, $0x38;
	[tilespmem:$0x10100] =	vst v63  }
0xd7: {  	_ =	swait.ge [sflag:s5], $0x8000  }
0xd8: {  	[sflag:s5] =	ssyncset.done $0x0  }
0xd9: {  	s0 =	rddreg [dreg:$0x7];
	[sflag:s5] =	ssyncadd.s32 $0xFFFF8000  }
0xda: {  	[tilespmem:s3], [sflag:$0x3] =	stream.linear.gather [hbm4b:s0+s3], $0x80, $0x38;
	[tilespmem:$0x10100] =	vst v63  }
0xdb: {  	_ =	swait.ge [sflag:s5], $0x80  }
0xdc: {  	[sflag:s5] =	ssyncset.done $0x0  }
0xdd: {  	[sflag:s5] =	ssyncadd.s32 $0xFFFFFF80  }
0xde: {  	v3 =	vld [tilespmem:$0x0];
	_ =	sdelay $0x4  }
0xdf: {  	v16 =	vshll.u32 v3, $0x1  }
0xe0: {  	v3 =	vand.u32 $0x7, v3;
	v4 =	vand.u32 $0xFFFFFFF0, v16  }
0xe1: {  	v3 =	vor.u32 v3, v4  }
0xe2: {  	v4 =	vperm.xlane v3, v0;
	_ =	sdelay $0x1  }
0xe3: {  	v3 =	vperm.xlane v3, v2;
	v4 =	vadd.s32 v1, v4;
	_ =	sdelay $0x1  }
0xe4: {  	v3 =	vadd.s32 v1, v3;
	_ =	sdelay $0x2  }
0xe5: {  	[tilespmem:s29], [sflag:$0x1] =	stream.indirect_vreg.gather [hbm4b:s1+s3], $0x80, v4, vm0, $0xb8;
	[tilespmem:$0x10100] =	vst v63  }
0xe6: {  	s8 =	simm.s32 $0x900  }
0xe7: {  	[tilespmem:s8], [sflag:$0x1] =	stream.indirect_vreg.gather [hbm4b:s1+s3], $0x80, v3, vm0, $0xb8;
	[tilespmem:$0x10100] =	vst v63  }
0xe8: {  	v3 =	vld [tilespmem:$0x10];
	_ =	sdelay $0x4  }
0xe9: {  	v17 =	vshll.u32 v3, $0x1  }
0xea: {  	v3 =	vand.u32 $0x7, v3;
	v4 =	vand.u32 $0xFFFFFFF0, v17  }
0xeb: {  	v3 =	vor.u32 v3, v4  }
0xec: {  	v4 =	vperm.xlane v3, v0;
	_ =	sdelay $0x1  }
0xed: {  	v3 =	vperm.xlane v3, v2;
	v4 =	vadd.s32 v1, v4;
	_ =	sdelay $0x1  }
0xee: {  	v3 =	vadd.s32 v1, v3;
	_ =	sdelay $0x1  }
0xef: {  	s2 =	simm.s32 $0x1100  }
0xf0: {  	[tilespmem:s2], [sflag:$0x1] =	stream.indirect_vreg.gather [hbm4b:s1+s3], $0x80, v4, vm0, $0xb8;
	[tilespmem:$0x10100] =	vst v63  }
0xf1: {  	s22 =	simm.s32 $0x1900  }
0xf2: {  	[tilespmem:s22], [sflag:$0x1] =	stream.indirect_vreg.gather [hbm4b:s1+s3], $0x80, v3, vm0, $0xb8;
	[tilespmem:$0x10100] =	vst v63  }
0xf3: {  	v3 =	vld [tilespmem:$0x20];
	_ =	sdelay $0x4  }
0xf4: {  	v18 =	vshll.u32 v3, $0x1  }
0xf5: {  	v3 =	vand.u32 $0x7, v3;
	v4 =	vand.u32 $0xFFFFFFF0, v18  }
0xf6: {  	v3 =	vor.u32 v3, v4  }
0xf7: {  	v4 =	vperm.xlane v3, v0;
	_ =	sdelay $0x1  }
0xf8: {  	v3 =	vperm.xlane v3, v2;
	v4 =	vadd.s32 v1, v4;
	_ =	sdelay $0x1  }
0xf9: {  	v3 =	vadd.s32 v1, v3;
	_ =	sdelay $0x1  }
0xfa: {  	s6 =	simm.s32 $0x2100  }
0xfb: {  	[tilespmem:s6], [sflag:$0x1] =	stream.indirect_vreg.gather [hbm4b:s1+s3], $0x80, v4, vm0, $0xb8;
	[tilespmem:$0x10100] =	vst v63  }
0xfc: {  	s9 =	simm.s32 $0x2900  }
0xfd: {  	[tilespmem:s9], [sflag:$0x1] =	stream.indirect_vreg.gather [hbm4b:s1+s3], $0x80, v3, vm0, $0xb8;
	[tilespmem:$0x10100] =	vst v63  }
0xfe: {  	v3 =	vld [tilespmem:$0x30];
	_ =	sdelay $0x4  }
0xff: {  	v19 =	vshll.u32 v3, $0x1  }
0x100: {  	v3 =	vand.u32 $0x7, v3;
	v4 =	vand.u32 $0xFFFFFFF0, v19  }
0x101: {  	v3 =	vor.u32 v3, v4  }
0x102: {  	v4 =	vperm.xlane v3, v0;
	_ =	sdelay $0x1  }
0x103: {  	v3 =	vperm.xlane v3, v2;
	v4 =	vadd.s32 v1, v4;
	_ =	sdelay $0x1  }
0x104: {  	v3 =	vadd.s32 v1, v3;
	_ =	sdelay $0x1  }
0x105: {  	s7 =	simm.s32 $0x3100  }
0x106: {  	[tilespmem:s7], [sflag:$0x1] =	stream.indirect_vreg.gather [hbm4b:s1+s3], $0x80, v4, vm0, $0xb8;
	[tilespmem:$0x10100] =	vst v63  }
0x107: {  	s26 =	simm.s32 $0x3900  }
0x108: {  	[tilespmem:s26], [sflag:$0x1] =	stream.indirect_vreg.gather [hbm4b:s1+s3], $0x80, v3, vm0, $0xb8;
	[tilespmem:$0x10100] =	vst v63  }
0x109: {  	v3 =	vld [tilespmem:$0x40];
	_ =	sdelay $0x4  }
0x10a: {  	v20 =	vshll.u32 v3, $0x1  }
0x10b: {  	v3 =	vand.u32 $0x7, v3;
	v4 =	vand.u32 $0xFFFFFFF0, v20  }
0x10c: {  	v3 =	vor.u32 v3, v4  }
0x10d: {  	v4 =	vperm.xlane v3, v0;
	_ =	sdelay $0x1  }
0x10e: {  	v3 =	vperm.xlane v3, v2;
	v4 =	vadd.s32 v1, v4;
	_ =	sdelay $0x1  }
0x10f: {  	v3 =	vadd.s32 v1, v3;
	_ =	sdelay $0x1  }
0x110: {  	s8 =	simm.s32 $0x4100  }
0x111: {  	[tilespmem:s8], [sflag:$0x1] =	stream.indirect_vreg.gather [hbm4b:s1+s3], $0x80, v4, vm0, $0xb8;
	[tilespmem:$0x10100] =	vst v63  }
0x112: {  	s10 =	simm.s32 $0x4900  }
0x113: {  	[tilespmem:s10], [sflag:$0x1] =	stream.indirect_vreg.gather [hbm4b:s1+s3], $0x80, v3, vm0, $0xb8;
	[tilespmem:$0x10100] =	vst v63  }
0x114: {  	v3 =	vld [tilespmem:$0x50];
	_ =	sdelay $0x4  }
0x115: {  	v21 =	vshll.u32 v3, $0x1  }
0x116: {  	v3 =	vand.u32 $0x7, v3;
	v4 =	vand.u32 $0xFFFFFFF0, v21  }
0x117: {  	v3 =	vor.u32 v3, v4  }
0x118: {  	v4 =	vperm.xlane v3, v0;
	_ =	sdelay $0x1  }
0x119: {  	v3 =	vperm.xlane v3, v2;
	v4 =	vadd.s32 v1, v4;
	_ =	sdelay $0x1  }
0x11a: {  	v3 =	vadd.s32 v1, v3;
	_ =	sdelay $0x1  }
0x11b: {  	s9 =	simm.s32 $0x5100  }
0x11c: {  	[tilespmem:s9], [sflag:$0x1] =	stream.indirect_vreg.gather [hbm4b:s1+s3], $0x80, v4, vm0, $0xb8;
	[tilespmem:$0x10100] =	vst v63  }
0x11d: {  	s11 =	simm.s32 $0x5900  }
0x11e: {  	[tilespmem:s11], [sflag:$0x1] =	stream.indirect_vreg.gather [hbm4b:s1+s3], $0x80, v3, vm0, $0xb8;
	[tilespmem:$0x10100] =	vst v63  }
0x11f: {  	v3 =	vld [tilespmem:$0x60];
	_ =	sdelay $0x4  }
0x120: {  	v22 =	vshll.u32 v3, $0x1  }
0x121: {  	v3 =	vand.u32 $0x7, v3;
	v4 =	vand.u32 $0xFFFFFFF0, v22  }
0x122: {  	v3 =	vor.u32 v3, v4  }
0x123: {  	v4 =	vperm.xlane v3, v0;
	_ =	sdelay $0x1  }
0x124: {  	v3 =	vperm.xlane v3, v2;
	v4 =	vadd.s32 v1, v4;
	_ =	sdelay $0x1  }
0x125: {  	v3 =	vadd.s32 v1, v3;
	_ =	sdelay $0x1  }
0x126: {  	s10 =	simm.s32 $0x6100  }
0x127: {  	[tilespmem:s10], [sflag:$0x1] =	stream.indirect_vreg.gather [hbm4b:s1+s3], $0x80, v4, vm0, $0xb8;
	[tilespmem:$0x10100] =	vst v63  }
0x128: {  	s12 =	simm.s32 $0x6900  }
0x129: {  	[tilespmem:s12], [sflag:$0x1] =	stream.indirect_vreg.gather [hbm4b:s1+s3], $0x80, v3, vm0, $0xb8;
	[tilespmem:$0x10100] =	vst v63  }
0x12a: {  	v3 =	vld [tilespmem:$0x70];
	_ =	sdelay $0x4  }
0x12b: {  	v23 =	vshll.u32 v3, $0x1  }
0x12c: {  	v3 =	vand.u32 $0x7, v3;
	v4 =	vand.u32 $0xFFFFFFF0, v23  }
0x12d: {  	v3 =	vor.u32 v3, v4  }
0x12e: {  	v4 =	vperm.xlane v3, v0;
	_ =	sdelay $0x1  }
0x12f: {  	v3 =	vperm.xlane v3, v2;
	v4 =	vadd.s32 v1, v4;
	_ =	sdelay $0x1  }
0x130: {  	v3 =	vadd.s32 v1, v3;
	_ =	sdelay $0x1  }
0x131: {  	s16 =	simm.s32 $0x7100  }
0x132: {  	[tilespmem:s16], [sflag:$0x1] =	stream.indirect_vreg.gather [hbm4b:s1+s3], $0x80, v4, vm0, $0xb8;
	[tilespmem:$0x10100] =	vst v63  }
0x133: {  	s17 =	simm.s32 $0x7900  }
0x134: {  	[tilespmem:s17], [sflag:$0x1] =	stream.indirect_vreg.gather [hbm4b:s1+s3], $0x80, v3, vm0, $0xb8;
	[tilespmem:$0x10100] =	vst v63  }
0x135: {  	_ =	swait.ge [sflag:s14], $0x8000  }
0x136: {  	[sflag:s14] =	ssyncset.done $0x0  }
0x137: {  	s6 =	rddreg [dreg:$0x8];
	[sflag:s14] =	ssyncadd.s32 $0xFFFF8000  }
0x138: {  	[hbm4b:s6+s3] =	stream.linear.scatter [tilespmem:s23], [sflag:$0x3], $0x8000, $0x38;
	[tilespmem:$0x10100] =	vst v63  }
0x139: {  	_ =	swait.ge [sflag:s5], $0x8000  }
0x13a: {  	[sflag:s5] =	ssyncset.done $0x0  }
0x13b: {  	s2 =	simm.s32 $0x80;
	s7 =	rddreg [dreg:$0x9];
	[sflag:s5] =	ssyncadd.s32 $0xFFFF8000  }
0x13c: {  	[tilespmem:s2], [sflag:$0x3] =	stream.linear.gather [hbm4b:s7+s3], $0x80, $0x38;
	[tilespmem:$0x10100] =	vst v63  }
0x13d: {  	_ =	swait.ge [sflag:s5], $0x80  }
0x13e: {  	[sflag:s5] =	ssyncset.done $0x0  }
0x13f: {  	[sflag:s5] =	ssyncadd.s32 $0xFFFFFF80  }
0x140: {  	v3 =	vld [tilespmem:$0x80];
	_ =	sdelay $0x4  }
0x141: {  	v24 =	vshll.u32 v3, $0x1  }
0x142: {  	v3 =	vand.u32 $0x7, v3;
	v4 =	vand.u32 $0xFFFFFFF0, v24  }
0x143: {  	v3 =	vor.u32 v3, v4  }
0x144: {  	v4 =	vperm.xlane v3, v0;
	_ =	sdelay $0x1  }
0x145: {  	v3 =	vperm.xlane v3, v2;
	v4 =	vadd.s32 v1, v4;
	_ =	sdelay $0x1  }
0x146: {  	v3 =	vadd.s32 v1, v3;
	_ =	sdelay $0x2  }
0x147: {  	[tilespmem:s23], [sflag:$0x2] =	stream.indirect_vreg.gather [hbm4b:s1+s3], $0x80, v4, vm0, $0xb8;
	[tilespmem:$0x10100] =	vst v63  }
0x148: {  	s6 =	simm.s32 $0x8900  }
0x149: {  	[tilespmem:s6], [sflag:$0x2] =	stream.indirect_vreg.gather [hbm4b:s1+s3], $0x80, v3, vm0, $0xb8;
	[tilespmem:$0x10100] =	vst v63  }
0x14a: {  	v3 =	vld [tilespmem:$0x90];
	_ =	sdelay $0x4  }
0x14b: {  	v25 =	vshll.u32 v3, $0x1  }
0x14c: {  	v3 =	vand.u32 $0x7, v3;
	v4 =	vand.u32 $0xFFFFFFF0, v25  }
0x14d: {  	v3 =	vor.u32 v3, v4  }
0x14e: {  	v4 =	vperm.xlane v3, v0;
	_ =	sdelay $0x1  }
0x14f: {  	v3 =	vperm.xlane v3, v2;
	v4 =	vadd.s32 v1, v4;
	_ =	sdelay $0x1  }
0x150: {  	v3 =	vadd.s32 v1, v3;
	_ =	sdelay $0x1  }
0x151: {  	s0 =	simm.s32 $0x9100  }
0x152: {  	[tilespmem:s0], [sflag:$0x2] =	stream.indirect_vreg.gather [hbm4b:s1+s3], $0x80, v4, vm0, $0xb8;
	[tilespmem:$0x10100] =	vst v63  }
0x153: {  	s7 =	simm.s32 $0x9900  }
0x154: {  	[tilespmem:s7], [sflag:$0x2] =	stream.indirect_vreg.gather [hbm4b:s1+s3], $0x80, v3, vm0, $0xb8;
	[tilespmem:$0x10100] =	vst v63  }
0x155: {  	v3 =	vld [tilespmem:$0xA0];
	_ =	sdelay $0x4  }
0x156: {  	v26 =	vshll.u32 v3, $0x1  }
0x157: {  	v3 =	vand.u32 $0x7, v3;
	v4 =	vand.u32 $0xFFFFFFF0, v26  }
0x158: {  	v3 =	vor.u32 v3, v4  }
0x159: {  	v4 =	vperm.xlane v3, v0;
	_ =	sdelay $0x1  }
0x15a: {  	v3 =	vperm.xlane v3, v2;
	v4 =	vadd.s32 v1, v4;
	_ =	sdelay $0x1  }
0x15b: {  	v3 =	vadd.s32 v1, v3;
	_ =	sdelay $0x1  }
0x15c: {  	s19 =	simm.s32 $0xA100  }
0x15d: {  	[tilespmem:s19], [sflag:$0x2] =	stream.indirect_vreg.gather [hbm4b:s1+s3], $0x80, v4, vm0, $0xb8;
	[tilespmem:$0x10100] =	vst v63  }
0x15e: {  	s19 =	simm.s32 $0xA900  }
0x15f: {  	[tilespmem:s19], [sflag:$0x2] =	stream.indirect_vreg.gather [hbm4b:s1+s3], $0x80, v3, vm0, $0xb8;
	[tilespmem:$0x10100] =	vst v63  }
0x160: {  	v3 =	vld [tilespmem:$0xB0];
	_ =	sdelay $0x4  }
0x161: {  	v27 =	vshll.u32 v3, $0x1  }
0x162: {  	v3 =	vand.u32 $0x7, v3;
	v4 =	vand.u32 $0xFFFFFFF0, v27  }
0x163: {  	v3 =	vor.u32 v3, v4  }
0x164: {  	v4 =	vperm.xlane v3, v0;
	_ =	sdelay $0x1  }
0x165: {  	v3 =	vperm.xlane v3, v2;
	v4 =	vadd.s32 v1, v4;
	_ =	sdelay $0x1  }
0x166: {  	v3 =	vadd.s32 v1, v3;
	_ =	sdelay $0x1  }
0x167: {  	s31 =	simm.s32 $0xB100  }
0x168: {  	[tilespmem:s31], [sflag:$0x2] =	stream.indirect_vreg.gather [hbm4b:s1+s3], $0x80, v4, vm0, $0xb8;
	[tilespmem:$0x10100] =	vst v63  }
0x169: {  	s20 =	simm.s32 $0xB900  }
0x16a: {  	[tilespmem:s20], [sflag:$0x2] =	stream.indirect_vreg.gather [hbm4b:s1+s3], $0x80, v3, vm0, $0xb8;
	[tilespmem:$0x10100] =	vst v63  }
0x16b: {  	v3 =	vld [tilespmem:$0xC0];
	_ =	sdelay $0x4  }
0x16c: {  	v28 =	vshll.u32 v3, $0x1  }
0x16d: {  	v3 =	vand.u32 $0x7, v3;
	v4 =	vand.u32 $0xFFFFFFF0, v28  }
0x16e: {  	v3 =	vor.u32 v3, v4  }
0x16f: {  	v4 =	vperm.xlane v3, v0;
	_ =	sdelay $0x1  }
0x170: {  	v3 =	vperm.xlane v3, v2;
	v4 =	vadd.s32 v1, v4;
	_ =	sdelay $0x1  }
0x171: {  	v3 =	vadd.s32 v1, v3;
	_ =	sdelay $0x1  }
0x172: {  	s20 =	simm.s32 $0xC100  }
0x173: {  	[tilespmem:s20], [sflag:$0x2] =	stream.indirect_vreg.gather [hbm4b:s1+s3], $0x80, v4, vm0, $0xb8;
	[tilespmem:$0x10100] =	vst v63  }
0x174: {  	s21 =	simm.s32 $0xC900  }
0x175: {  	[tilespmem:s21], [sflag:$0x2] =	stream.indirect_vreg.gather [hbm4b:s1+s3], $0x80, v3, vm0, $0xb8;
	[tilespmem:$0x10100] =	vst v63  }
0x176: {  	v3 =	vld [tilespmem:$0xD0];
	_ =	sdelay $0x4  }
0x177: {  	v29 =	vshll.u32 v3, $0x1  }
0x178: {  	v3 =	vand.u32 $0x7, v3;
	v4 =	vand.u32 $0xFFFFFFF0, v29  }
0x179: {  	v3 =	vor.u32 v3, v4  }
0x17a: {  	v4 =	vperm.xlane v3, v0;
	_ =	sdelay $0x1  }
0x17b: {  	v3 =	vperm.xlane v3, v2;
	v4 =	vadd.s32 v1, v4;
	_ =	sdelay $0x1  }
0x17c: {  	v3 =	vadd.s32 v1, v3;
	_ =	sdelay $0x1  }
0x17d: {  	s21 =	simm.s32 $0xD100  }
0x17e: {  	[tilespmem:s21], [sflag:$0x2] =	stream.indirect_vreg.gather [hbm4b:s1+s3], $0x80, v4, vm0, $0xb8;
	[tilespmem:$0x10100] =	vst v63  }
0x17f: {  	s24 =	simm.s32 $0xD900  }
0x180: {  	[tilespmem:s24], [sflag:$0x2] =	stream.indirect_vreg.gather [hbm4b:s1+s3], $0x80, v3, vm0, $0xb8;
	[tilespmem:$0x10100] =	vst v63  }
0x181: {  	v3 =	vld [tilespmem:$0xE0];
	_ =	sdelay $0x4  }
0x182: {  	v30 =	vshll.u32 v3, $0x1  }
0x183: {  	v3 =	vand.u32 $0x7, v3;
	v4 =	vand.u32 $0xFFFFFFF0, v30  }
0x184: {  	v3 =	vor.u32 v3, v4  }
0x185: {  	v4 =	vperm.xlane v3, v0;
	_ =	sdelay $0x1  }
0x186: {  	v3 =	vperm.xlane v3, v2;
	v4 =	vadd.s32 v1, v4;
	_ =	sdelay $0x1  }
0x187: {  	v3 =	vadd.s32 v1, v3;
	_ =	sdelay $0x1  }
0x188: {  	s24 =	simm.s32 $0xE100  }
0x189: {  	[tilespmem:s24], [sflag:$0x2] =	stream.indirect_vreg.gather [hbm4b:s1+s3], $0x80, v4, vm0, $0xb8;
	[tilespmem:$0x10100] =	vst v63  }
0x18a: {  	s25 =	simm.s32 $0xE900  }
0x18b: {  	[tilespmem:s25], [sflag:$0x2] =	stream.indirect_vreg.gather [hbm4b:s1+s3], $0x80, v3, vm0, $0xb8;
	[tilespmem:$0x10100] =	vst v63  }
0x18c: {  	v3 =	vld [tilespmem:$0xF0];
	_ =	sdelay $0x4  }
0x18d: {  	v31 =	vshll.u32 v3, $0x1  }
0x18e: {  	v3 =	vand.u32 $0x7, v3;
	v4 =	vand.u32 $0xFFFFFFF0, v31  }
0x18f: {  	v3 =	vor.u32 v3, v4  }
0x190: {  	v4 =	vperm.xlane v3, v0;
	_ =	sdelay $0x1  }
0x191: {  	v3 =	vperm.xlane v3, v2;
	v4 =	vadd.s32 v1, v4;
	_ =	sdelay $0x1  }
0x192: {  	v3 =	vadd.s32 v1, v3;
	_ =	sdelay $0x1  }
0x193: {  	s20 =	simm.s32 $0xF100  }
0x194: {  	[tilespmem:s20], [sflag:$0x2] =	stream.indirect_vreg.gather [hbm4b:s1+s3], $0x80, v4, vm0, $0xb8;
	[tilespmem:$0x10100] =	vst v63  }
0x195: {  	s18 =	simm.s32 $0xF900  }
0x196: {  	[tilespmem:s18], [sflag:$0x2] =	stream.indirect_vreg.gather [hbm4b:s1+s3], $0x80, v3, vm0, $0xb8;
	[tilespmem:$0x10100] =	vst v63  }
0x197: {  	_ =	swait.ge [sflag:s13], $0x8000  }
0x198: {  	[sflag:s13] =	ssyncset.done $0x0  }
0x199: {  	s25 =	rddreg [dreg:$0xa];
	[sflag:s13] =	ssyncadd.s32 $0xFFFF8000  }
0x19a: {  	[hbm4b:s25+s3] =	stream.linear.scatter [tilespmem:s29], [sflag:$0x3], $0x8000, $0x38;
	[tilespmem:$0x10100] =	vst v63  }
0x19b: {  	_ =	swait.ge [sflag:s5], $0x8000  }
0x19c: {  	[sflag:s5] =	ssyncset.done $0x0  }
0x19d: {  	s18 =	rddreg [dreg:$0xb];
	[sflag:s5] =	ssyncadd.s32 $0xFFFF8000  }
0x19e: {  	[tilespmem:s3], [sflag:$0x3] =	stream.linear.gather [hbm4b:s18+s3], $0x80, $0x38;
	[tilespmem:$0x10100] =	vst v63  }
0x19f: {  	_ =	swait.ge [sflag:s5], $0x80  }
0x1a0: {  	[sflag:s5] =	ssyncset.done $0x0  }
0x1a1: {  	[sflag:s5] =	ssyncadd.s32 $0xFFFFFF80  }
0x1a2: {  	v3 =	vld [tilespmem:$0x0];
	_ =	sdelay $0x4  }
0x1a3: {  	v32 =	vshll.u32 v3, $0x1  }
0x1a4: {  	v3 =	vand.u32 $0x7, v3;
	v4 =	vand.u32 $0xFFFFFFF0, v32  }
0x1a5: {  	v3 =	vor.u32 v3, v4  }
0x1a6: {  	v4 =	vperm.xlane v3, v0;
	_ =	sdelay $0x1  }
0x1a7: {  	v3 =	vperm.xlane v3, v2;
	v4 =	vadd.s32 v1, v4;
	_ =	sdelay $0x1  }
0x1a8: {  	v3 =	vadd.s32 v1, v3;
	_ =	sdelay $0x2  }
0x1a9: {  	[tilespmem:s29], [sflag:$0x1] =	stream.indirect_vreg.gather [hbm4b:s1+s3], $0x80, v4, vm0, $0xb8;
	[tilespmem:$0x10100] =	vst v63  }
0x1aa: {  	s20 =	simm.s32 $0x900  }
0x1ab: {  	[tilespmem:s20], [sflag:$0x1] =	stream.indirect_vreg.gather [hbm4b:s1+s3], $0x80, v3, vm0, $0xb8;
	[tilespmem:$0x10100] =	vst v63  }
0x1ac: {  	v3 =	vld [tilespmem:$0x10];
	_ =	sdelay $0x4  }
0x1ad: {  	v33 =	vshll.u32 v3, $0x1  }
0x1ae: {  	v3 =	vand.u32 $0x7, v3;
	v4 =	vand.u32 $0xFFFFFFF0, v33  }
0x1af: {  	v3 =	vor.u32 v3, v4  }
0x1b0: {  	v4 =	vperm.xlane v3, v0;
	_ =	sdelay $0x1  }
0x1b1: {  	v3 =	vperm.xlane v3, v2;
	v4 =	vadd.s32 v1, v4;
	_ =	sdelay $0x1  }
0x1b2: {  	v3 =	vadd.s32 v1, v3;
	_ =	sdelay $0x1  }
0x1b3: {  	s25 =	simm.s32 $0x1100  }
0x1b4: {  	[tilespmem:s25], [sflag:$0x1] =	stream.indirect_vreg.gather [hbm4b:s1+s3], $0x80, v4, vm0, $0xb8;
	[tilespmem:$0x10100] =	vst v63  }
0x1b5: {  	_ = 	snop  }
0x1b6: {  	[tilespmem:s22], [sflag:$0x1] =	stream.indirect_vreg.gather [hbm4b:s1+s3], $0x80, v3, vm0, $0xb8;
	[tilespmem:$0x10100] =	vst v63  }
0x1b7: {  	v3 =	vld [tilespmem:$0x20];
	_ =	sdelay $0x4  }
0x1b8: {  	v34 =	vshll.u32 v3, $0x1  }
0x1b9: {  	v3 =	vand.u32 $0x7, v3;
	v4 =	vand.u32 $0xFFFFFFF0, v34  }
0x1ba: {  	v3 =	vor.u32 v3, v4  }
0x1bb: {  	v4 =	vperm.xlane v3, v0;
	_ =	sdelay $0x1  }
0x1bc: {  	v3 =	vperm.xlane v3, v2;
	v4 =	vadd.s32 v1, v4;
	_ =	sdelay $0x1  }
0x1bd: {  	v3 =	vadd.s32 v1, v3;
	_ =	sdelay $0x1  }
0x1be: {  	s18 =	simm.s32 $0x2100  }
0x1bf: {  	[tilespmem:s18], [sflag:$0x1] =	stream.indirect_vreg.gather [hbm4b:s1+s3], $0x80, v4, vm0, $0xb8;
	[tilespmem:$0x10100] =	vst v63  }
0x1c0: {  	s22 =	simm.s32 $0x2900  }
0x1c1: {  	[tilespmem:s22], [sflag:$0x1] =	stream.indirect_vreg.gather [hbm4b:s1+s3], $0x80, v3, vm0, $0xb8;
	[tilespmem:$0x10100] =	vst v63  }
0x1c2: {  	v3 =	vld [tilespmem:$0x30];
	_ =	sdelay $0x4  }
0x1c3: {  	v35 =	vshll.u32 v3, $0x1  }
0x1c4: {  	v3 =	vand.u32 $0x7, v3;
	v4 =	vand.u32 $0xFFFFFFF0, v35  }
0x1c5: {  	v3 =	vor.u32 v3, v4  }
0x1c6: {  	v4 =	vperm.xlane v3, v0;
	_ =	sdelay $0x1  }
0x1c7: {  	v3 =	vperm.xlane v3, v2;
	v4 =	vadd.s32 v1, v4;
	_ =	sdelay $0x1  }
0x1c8: {  	v3 =	vadd.s32 v1, v3;
	_ =	sdelay $0x1  }
0x1c9: {  	s25 =	simm.s32 $0x3100  }
0x1ca: {  	[tilespmem:s25], [sflag:$0x1] =	stream.indirect_vreg.gather [hbm4b:s1+s3], $0x80, v4, vm0, $0xb8;
	[tilespmem:$0x10100] =	vst v63  }
0x1cb: {  	_ = 	snop  }
0x1cc: {  	[tilespmem:s26], [sflag:$0x1] =	stream.indirect_vreg.gather [hbm4b:s1+s3], $0x80, v3, vm0, $0xb8;
	[tilespmem:$0x10100] =	vst v63  }
0x1cd: {  	v3 =	vld [tilespmem:$0x40];
	_ =	sdelay $0x4  }
0x1ce: {  	v36 =	vshll.u32 v3, $0x1  }
0x1cf: {  	v3 =	vand.u32 $0x7, v3;
	v4 =	vand.u32 $0xFFFFFFF0, v36  }
0x1d0: {  	v3 =	vor.u32 v3, v4  }
0x1d1: {  	v4 =	vperm.xlane v3, v0;
	_ =	sdelay $0x1  }
0x1d2: {  	v3 =	vperm.xlane v3, v2;
	v4 =	vadd.s32 v1, v4;
	_ =	sdelay $0x1  }
0x1d3: {  	v3 =	vadd.s32 v1, v3;
	_ =	sdelay $0x2  }
0x1d4: {  	[tilespmem:s8], [sflag:$0x1] =	stream.indirect_vreg.gather [hbm4b:s1+s3], $0x80, v4, vm0, $0xb8;
	[tilespmem:$0x10100] =	vst v63  }
0x1d5: {  	s18 =	simm.s32 $0x4900  }
0x1d6: {  	[tilespmem:s18], [sflag:$0x1] =	stream.indirect_vreg.gather [hbm4b:s1+s3], $0x80, v3, vm0, $0xb8;
	[tilespmem:$0x10100] =	vst v63  }
0x1d7: {  	v3 =	vld [tilespmem:$0x50];
	_ =	sdelay $0x4  }
0x1d8: {  	v37 =	vshll.u32 v3, $0x1  }
0x1d9: {  	v3 =	vand.u32 $0x7, v3;
	v4 =	vand.u32 $0xFFFFFFF0, v37  }
0x1da: {  	v3 =	vor.u32 v3, v4  }
0x1db: {  	v4 =	vperm.xlane v3, v0;
	_ =	sdelay $0x1  }
0x1dc: {  	v3 =	vperm.xlane v3, v2;
	v4 =	vadd.s32 v1, v4;
	_ =	sdelay $0x1  }
0x1dd: {  	v3 =	vadd.s32 v1, v3;
	_ =	sdelay $0x2  }
0x1de: {  	[tilespmem:s9], [sflag:$0x1] =	stream.indirect_vreg.gather [hbm4b:s1+s3], $0x80, v4, vm0, $0xb8;
	[tilespmem:$0x10100] =	vst v63  }
0x1df: {  	_ = 	snop  }
0x1e0: {  	[tilespmem:s11], [sflag:$0x1] =	stream.indirect_vreg.gather [hbm4b:s1+s3], $0x80, v3, vm0, $0xb8;
	[tilespmem:$0x10100] =	vst v63  }
0x1e1: {  	v3 =	vld [tilespmem:$0x60];
	_ =	sdelay $0x4  }
0x1e2: {  	v38 =	vshll.u32 v3, $0x1  }
0x1e3: {  	v3 =	vand.u32 $0x7, v3;
	v4 =	vand.u32 $0xFFFFFFF0, v38  }
0x1e4: {  	v3 =	vor.u32 v3, v4  }
0x1e5: {  	v4 =	vperm.xlane v3, v0;
	_ =	sdelay $0x1  }
0x1e6: {  	v3 =	vperm.xlane v3, v2;
	v4 =	vadd.s32 v1, v4;
	_ =	sdelay $0x1  }
0x1e7: {  	v3 =	vadd.s32 v1, v3;
	_ =	sdelay $0x2  }
0x1e8: {  	[tilespmem:s10], [sflag:$0x1] =	stream.indirect_vreg.gather [hbm4b:s1+s3], $0x80, v4, vm0, $0xb8;
	[tilespmem:$0x10100] =	vst v63  }
0x1e9: {  	_ = 	snop  }
0x1ea: {  	[tilespmem:s12], [sflag:$0x1] =	stream.indirect_vreg.gather [hbm4b:s1+s3], $0x80, v3, vm0, $0xb8;
	[tilespmem:$0x10100] =	vst v63  }
0x1eb: {  	v3 =	vld [tilespmem:$0x70];
	_ =	sdelay $0x4  }
0x1ec: {  	v39 =	vshll.u32 v3, $0x1  }
0x1ed: {  	v3 =	vand.u32 $0x7, v3;
	v4 =	vand.u32 $0xFFFFFFF0, v39  }
0x1ee: {  	v3 =	vor.u32 v3, v4  }
0x1ef: {  	v4 =	vperm.xlane v3, v0;
	_ =	sdelay $0x1  }
0x1f0: {  	v3 =	vperm.xlane v3, v2;
	v4 =	vadd.s32 v1, v4;
	_ =	sdelay $0x1  }
0x1f1: {  	v3 =	vadd.s32 v1, v3;
	_ =	sdelay $0x2  }
0x1f2: {  	[tilespmem:s16], [sflag:$0x1] =	stream.indirect_vreg.gather [hbm4b:s1+s3], $0x80, v4, vm0, $0xb8;
	[tilespmem:$0x10100] =	vst v63  }
0x1f3: {  	_ = 	snop  }
0x1f4: {  	[tilespmem:s17], [sflag:$0x1] =	stream.indirect_vreg.gather [hbm4b:s1+s3], $0x80, v3, vm0, $0xb8;
	[tilespmem:$0x10100] =	vst v63  }
0x1f5: {  	_ =	swait.ge [sflag:s14], $0x8000  }
0x1f6: {  	[sflag:s14] =	ssyncset.done $0x0  }
0x1f7: {  	s25 =	rddreg [dreg:$0xc];
	[sflag:s14] =	ssyncadd.s32 $0xFFFF8000  }
0x1f8: {  	[hbm4b:s25+s3] =	stream.linear.scatter [tilespmem:s23], [sflag:$0x3], $0x8000, $0x38;
	[tilespmem:$0x10100] =	vst v63  }
0x1f9: {  	_ =	swait.ge [sflag:s5], $0x8000  }
0x1fa: {  	[sflag:s5] =	ssyncset.done $0x0  }
0x1fb: {  	s26 =	rddreg [dreg:$0xd];
	[sflag:s5] =	ssyncadd.s32 $0xFFFF8000  }
0x1fc: {  	[tilespmem:s2], [sflag:$0x3] =	stream.linear.gather [hbm4b:s26+s3], $0x80, $0x38;
	[tilespmem:$0x10100] =	vst v63  }
0x1fd: {  	_ =	swait.ge [sflag:s5], $0x80  }
0x1fe: {  	[sflag:s5] =	ssyncset.done $0x0  }
0x1ff: {  	[sflag:s5] =	ssyncadd.s32 $0xFFFFFF80  }
0x200: {  	v3 =	vld [tilespmem:$0x80];
	_ =	sdelay $0x4  }
0x201: {  	v40 =	vshll.u32 v3, $0x1  }
0x202: {  	v3 =	vand.u32 $0x7, v3;
	v4 =	vand.u32 $0xFFFFFFF0, v40  }
0x203: {  	v3 =	vor.u32 v3, v4  }
0x204: {  	v4 =	vperm.xlane v3, v0;
	_ =	sdelay $0x1  }
0x205: {  	v3 =	vperm.xlane v3, v2;
	v4 =	vadd.s32 v1, v4;
	_ =	sdelay $0x1  }
0x206: {  	v3 =	vadd.s32 v1, v3;
	_ =	sdelay $0x2  }
0x207: {  	[tilespmem:s23], [sflag:$0x2] =	stream.indirect_vreg.gather [hbm4b:s1+s3], $0x80, v4, vm0, $0xb8;
	[tilespmem:$0x10100] =	vst v63  }
0x208: {  	_ = 	snop  }
0x209: {  	[tilespmem:s6], [sflag:$0x2] =	stream.indirect_vreg.gather [hbm4b:s1+s3], $0x80, v3, vm0, $0xb8;
	[tilespmem:$0x10100] =	vst v63  }
0x20a: {  	v3 =	vld [tilespmem:$0x90];
	_ =	sdelay $0x4  }
0x20b: {  	v41 =	vshll.u32 v3, $0x1  }
0x20c: {  	v3 =	vand.u32 $0x7, v3;
	v4 =	vand.u32 $0xFFFFFFF0, v41  }
0x20d: {  	v3 =	vor.u32 v3, v4  }
0x20e: {  	v4 =	vperm.xlane v3, v0;
	_ =	sdelay $0x1  }
0x20f: {  	v3 =	vperm.xlane v3, v2;
	v4 =	vadd.s32 v1, v4;
	_ =	sdelay $0x1  }
0x210: {  	v3 =	vadd.s32 v1, v3;
	_ =	sdelay $0x2  }
0x211: {  	[tilespmem:s0], [sflag:$0x2] =	stream.indirect_vreg.gather [hbm4b:s1+s3], $0x80, v4, vm0, $0xb8;
	[tilespmem:$0x10100] =	vst v63  }
0x212: {  	_ = 	snop  }
0x213: {  	[tilespmem:s7], [sflag:$0x2] =	stream.indirect_vreg.gather [hbm4b:s1+s3], $0x80, v3, vm0, $0xb8;
	[tilespmem:$0x10100] =	vst v63  }
0x214: {  	v3 =	vld [tilespmem:$0xA0];
	_ =	sdelay $0x4  }
0x215: {  	v42 =	vshll.u32 v3, $0x1  }
0x216: {  	v3 =	vand.u32 $0x7, v3;
	v4 =	vand.u32 $0xFFFFFFF0, v42  }
0x217: {  	v3 =	vor.u32 v3, v4  }
0x218: {  	v4 =	vperm.xlane v3, v0;
	_ =	sdelay $0x1  }
0x219: {  	v3 =	vperm.xlane v3, v2;
	v4 =	vadd.s32 v1, v4;
	_ =	sdelay $0x1  }
0x21a: {  	v3 =	vadd.s32 v1, v3;
	_ =	sdelay $0x1  }
0x21b: {  	s28 =	simm.s32 $0xA100  }
0x21c: {  	[tilespmem:s28], [sflag:$0x2] =	stream.indirect_vreg.gather [hbm4b:s1+s3], $0x80, v4, vm0, $0xb8;
	[tilespmem:$0x10100] =	vst v63  }
0x21d: {  	_ = 	snop  }
0x21e: {  	[tilespmem:s19], [sflag:$0x2] =	stream.indirect_vreg.gather [hbm4b:s1+s3], $0x80, v3, vm0, $0xb8;
	[tilespmem:$0x10100] =	vst v63  }
0x21f: {  	v3 =	vld [tilespmem:$0xB0];
	_ =	sdelay $0x4  }
0x220: {  	v43 =	vshll.u32 v3, $0x1  }
0x221: {  	v3 =	vand.u32 $0x7, v3;
	v4 =	vand.u32 $0xFFFFFFF0, v43  }
0x222: {  	v3 =	vor.u32 v3, v4  }
0x223: {  	v4 =	vperm.xlane v3, v0;
	_ =	sdelay $0x1  }
0x224: {  	v3 =	vperm.xlane v3, v2;
	v4 =	vadd.s32 v1, v4;
	_ =	sdelay $0x1  }
0x225: {  	v3 =	vadd.s32 v1, v3;
	_ =	sdelay $0x1  }
0x226: {  	s31 =	simm.s32 $0xB100  }
0x227: {  	[tilespmem:s31], [sflag:$0x2] =	stream.indirect_vreg.gather [hbm4b:s1+s3], $0x80, v4, vm0, $0xb8;
	[tilespmem:$0x10100] =	vst v63  }
0x228: {  	s30 =	simm.s32 $0xB900  }
0x229: {  	[tilespmem:s30], [sflag:$0x2] =	stream.indirect_vreg.gather [hbm4b:s1+s3], $0x80, v3, vm0, $0xb8;
	[tilespmem:$0x10100] =	vst v63  }
0x22a: {  	v3 =	vld [tilespmem:$0xC0];
	_ =	sdelay $0x4  }
0x22b: {  	v44 =	vshll.u32 v3, $0x1  }
0x22c: {  	v3 =	vand.u32 $0x7, v3;
	v4 =	vand.u32 $0xFFFFFFF0, v44  }
0x22d: {  	v3 =	vor.u32 v3, v4  }
0x22e: {  	v4 =	vperm.xlane v3, v0;
	_ =	sdelay $0x1  }
0x22f: {  	v3 =	vperm.xlane v3, v2;
	v4 =	vadd.s32 v1, v4;
	_ =	sdelay $0x1  }
0x230: {  	v3 =	vadd.s32 v1, v3;
	_ =	sdelay $0x1  }
0x231: {  	s31 =	simm.s32 $0xC100  }
0x232: {  	[tilespmem:s31], [sflag:$0x2] =	stream.indirect_vreg.gather [hbm4b:s1+s3], $0x80, v4, vm0, $0xb8;
	[tilespmem:$0x10100] =	vst v63  }
0x233: {  	s19 =	simm.s32 $0xC900  }
0x234: {  	[tilespmem:s19], [sflag:$0x2] =	stream.indirect_vreg.gather [hbm4b:s1+s3], $0x80, v3, vm0, $0xb8;
	[tilespmem:$0x10100] =	vst v63  }
0x235: {  	v3 =	vld [tilespmem:$0xD0];
	_ =	sdelay $0x4  }
0x236: {  	v45 =	vshll.u32 v3, $0x1  }
0x237: {  	v3 =	vand.u32 $0x7, v3;
	v4 =	vand.u32 $0xFFFFFFF0, v45  }
0x238: {  	v3 =	vor.u32 v3, v4  }
0x239: {  	v4 =	vperm.xlane v3, v0;
	_ =	sdelay $0x1  }
0x23a: {  	v3 =	vperm.xlane v3, v2;
	v4 =	vadd.s32 v1, v4;
	_ =	sdelay $0x1  }
0x23b: {  	v3 =	vadd.s32 v1, v3;
	_ =	sdelay $0x1  }
0x23c: {  	s21 =	simm.s32 $0xD100  }
0x23d: {  	[tilespmem:s21], [sflag:$0x2] =	stream.indirect_vreg.gather [hbm4b:s1+s3], $0x80, v4, vm0, $0xb8;
	[tilespmem:$0x10100] =	vst v63  }
0x23e: {  	s21 =	simm.s32 $0xD900  }
0x23f: {  	[tilespmem:s21], [sflag:$0x2] =	stream.indirect_vreg.gather [hbm4b:s1+s3], $0x80, v3, vm0, $0xb8;
	[tilespmem:$0x10100] =	vst v63  }
0x240: {  	v3 =	vld [tilespmem:$0xE0];
	_ =	sdelay $0x4  }
0x241: {  	v46 =	vshll.u32 v3, $0x1  }
0x242: {  	v3 =	vand.u32 $0x7, v3;
	v4 =	vand.u32 $0xFFFFFFF0, v46  }
0x243: {  	v3 =	vor.u32 v3, v4  }
0x244: {  	v4 =	vperm.xlane v3, v0;
	_ =	sdelay $0x1  }
0x245: {  	v3 =	vperm.xlane v3, v2;
	v4 =	vadd.s32 v1, v4;
	_ =	sdelay $0x1  }
0x246: {  	v3 =	vadd.s32 v1, v3;
	_ =	sdelay $0x1  }
0x247: {  	s24 =	simm.s32 $0xE100  }
0x248: {  	[tilespmem:s24], [sflag:$0x2] =	stream.indirect_vreg.gather [hbm4b:s1+s3], $0x80, v4, vm0, $0xb8;
	[tilespmem:$0x10100] =	vst v63  }
0x249: {  	s24 =	simm.s32 $0xE900  }
0x24a: {  	[tilespmem:s24], [sflag:$0x2] =	stream.indirect_vreg.gather [hbm4b:s1+s3], $0x80, v3, vm0, $0xb8;
	[tilespmem:$0x10100] =	vst v63  }
0x24b: {  	v3 =	vld [tilespmem:$0xF0];
	_ =	sdelay $0x4  }
0x24c: {  	v47 =	vshll.u32 v3, $0x1  }
0x24d: {  	v3 =	vand.u32 $0x7, v3;
	v4 =	vand.u32 $0xFFFFFFF0, v47  }
0x24e: {  	v3 =	vor.u32 v3, v4  }
0x24f: {  	v4 =	vperm.xlane v3, v0;
	_ =	sdelay $0x1  }
0x250: {  	v3 =	vperm.xlane v3, v2;
	v4 =	vadd.s32 v1, v4;
	_ =	sdelay $0x1  }
0x251: {  	v3 =	vadd.s32 v1, v3;
	_ =	sdelay $0x1  }
0x252: {  	s24 =	simm.s32 $0xF100  }
0x253: {  	[tilespmem:s24], [sflag:$0x2] =	stream.indirect_vreg.gather [hbm4b:s1+s3], $0x80, v4, vm0, $0xb8;
	[tilespmem:$0x10100] =	vst v63  }
0x254: {  	s15 =	simm.s32 $0xF900  }
0x255: {  	[tilespmem:s15], [sflag:$0x2] =	stream.indirect_vreg.gather [hbm4b:s1+s3], $0x80, v3, vm0, $0xb8;
	[tilespmem:$0x10100] =	vst v63  }
0x256: {  	_ =	swait.ge [sflag:s13], $0x8000  }
0x257: {  	[sflag:s13] =	ssyncset.done $0x0  }
0x258: {  	s15 =	rddreg [dreg:$0xe];
	[sflag:s13] =	ssyncadd.s32 $0xFFFF8000  }
0x259: {  	[hbm4b:s15+s3] =	stream.linear.scatter [tilespmem:s29], [sflag:$0x3], $0x8000, $0x38;
	[tilespmem:$0x10100] =	vst v63  }
0x25a: {  	_ =	swait.ge [sflag:s5], $0x8000  }
0x25b: {  	[sflag:s5] =	ssyncset.done $0x0  }
0x25c: {  	s15 =	rddreg [dreg:$0xf];
	[sflag:s5] =	ssyncadd.s32 $0xFFFF8000  }
0x25d: {  	[tilespmem:s3], [sflag:$0x3] =	stream.linear.gather [hbm4b:s15+s3], $0x80, $0x38;
	[tilespmem:$0x10100] =	vst v63  }
0x25e: {  	_ =	swait.ge [sflag:s5], $0x80  }
0x25f: {  	[sflag:s5] =	ssyncset.done $0x0  }
0x260: {  	[sflag:s5] =	ssyncadd.s32 $0xFFFFFF80  }
0x261: {  	v3 =	vld [tilespmem:$0x0];
	_ =	sdelay $0x4  }
0x262: {  	v48 =	vshll.u32 v3, $0x1  }
0x263: {  	v3 =	vand.u32 $0x7, v3;
	v4 =	vand.u32 $0xFFFFFFF0, v48  }
0x264: {  	v3 =	vor.u32 v3, v4  }
0x265: {  	v4 =	vperm.xlane v3, v0;
	_ =	sdelay $0x1  }
0x266: {  	v3 =	vperm.xlane v3, v2;
	v4 =	vadd.s32 v1, v4;
	_ =	sdelay $0x1  }
0x267: {  	v3 =	vadd.s32 v1, v3;
	_ =	sdelay $0x2  }
0x268: {  	[tilespmem:s29], [sflag:$0x1] =	stream.indirect_vreg.gather [hbm4b:s1+s3], $0x80, v4, vm0, $0xb8;
	[tilespmem:$0x10100] =	vst v63  }
0x269: {  	s15 =	simm.s32 $0x900  }
0x26a: {  	[tilespmem:s15], [sflag:$0x1] =	stream.indirect_vreg.gather [hbm4b:s1+s3], $0x80, v3, vm0, $0xb8;
	[tilespmem:$0x10100] =	vst v63  }
0x26b: {  	v3 =	vld [tilespmem:$0x10];
	_ =	sdelay $0x4  }
0x26c: {  	v49 =	vshll.u32 v3, $0x1  }
0x26d: {  	v3 =	vand.u32 $0x7, v3;
	v4 =	vand.u32 $0xFFFFFFF0, v49  }
0x26e: {  	v3 =	vor.u32 v3, v4  }
0x26f: {  	v4 =	vperm.xlane v3, v0;
	_ =	sdelay $0x1  }
0x270: {  	v3 =	vperm.xlane v3, v2;
	v4 =	vadd.s32 v1, v4;
	_ =	sdelay $0x1  }
0x271: {  	v3 =	vadd.s32 v1, v3;
	_ =	sdelay $0x1  }
0x272: {  	s15 =	simm.s32 $0x1100  }
0x273: {  	[tilespmem:s15], [sflag:$0x1] =	stream.indirect_vreg.gather [hbm4b:s1+s3], $0x80, v4, vm0, $0xb8;
	[tilespmem:$0x10100] =	vst v63  }
0x274: {  	s20 =	simm.s32 $0x1900  }
0x275: {  	[tilespmem:s20], [sflag:$0x1] =	stream.indirect_vreg.gather [hbm4b:s1+s3], $0x80, v3, vm0, $0xb8;
	[tilespmem:$0x10100] =	vst v63  }
0x276: {  	v3 =	vld [tilespmem:$0x20];
	_ =	sdelay $0x4  }
0x277: {  	v50 =	vshll.u32 v3, $0x1  }
0x278: {  	v3 =	vand.u32 $0x7, v3;
	v4 =	vand.u32 $0xFFFFFFF0, v50  }
0x279: {  	v3 =	vor.u32 v3, v4  }
0x27a: {  	v4 =	vperm.xlane v3, v0;
	_ =	sdelay $0x1  }
0x27b: {  	v3 =	vperm.xlane v3, v2;
	v4 =	vadd.s32 v1, v4;
	_ =	sdelay $0x1  }
0x27c: {  	v3 =	vadd.s32 v1, v3;
	_ =	sdelay $0x1  }
0x27d: {  	s20 =	simm.s32 $0x2100  }
0x27e: {  	[tilespmem:s20], [sflag:$0x1] =	stream.indirect_vreg.gather [hbm4b:s1+s3], $0x80, v4, vm0, $0xb8;
	[tilespmem:$0x10100] =	vst v63  }
0x27f: {  	s20 =	simm.s32 $0x2900  }
0x280: {  	[tilespmem:s20], [sflag:$0x1] =	stream.indirect_vreg.gather [hbm4b:s1+s3], $0x80, v3, vm0, $0xb8;
	[tilespmem:$0x10100] =	vst v63  }
0x281: {  	v3 =	vld [tilespmem:$0x30];
	_ =	sdelay $0x4  }
0x282: {  	v51 =	vshll.u32 v3, $0x1  }
0x283: {  	v3 =	vand.u32 $0x7, v3;
	v4 =	vand.u32 $0xFFFFFFF0, v51  }
0x284: {  	v3 =	vor.u32 v3, v4  }
0x285: {  	v4 =	vperm.xlane v3, v0;
	_ =	sdelay $0x1  }
0x286: {  	v3 =	vperm.xlane v3, v2;
	v4 =	vadd.s32 v1, v4;
	_ =	sdelay $0x1  }
0x287: {  	v3 =	vadd.s32 v1, v3;
	_ =	sdelay $0x1  }
0x288: {  	s20 =	simm.s32 $0x3100  }
0x289: {  	[tilespmem:s20], [sflag:$0x1] =	stream.indirect_vreg.gather [hbm4b:s1+s3], $0x80, v4, vm0, $0xb8;
	[tilespmem:$0x10100] =	vst v63  }
0x28a: {  	s22 =	simm.s32 $0x3900  }
0x28b: {  	[tilespmem:s22], [sflag:$0x1] =	stream.indirect_vreg.gather [hbm4b:s1+s3], $0x80, v3, vm0, $0xb8;
	[tilespmem:$0x10100] =	vst v63  }
0x28c: {  	v3 =	vld [tilespmem:$0x40];
	_ =	sdelay $0x4  }
0x28d: {  	v52 =	vshll.u32 v3, $0x1  }
0x28e: {  	v3 =	vand.u32 $0x7, v3;
	v4 =	vand.u32 $0xFFFFFFF0, v52  }
0x28f: {  	v3 =	vor.u32 v3, v4  }
0x290: {  	v4 =	vperm.xlane v3, v0;
	_ =	sdelay $0x1  }
0x291: {  	v3 =	vperm.xlane v3, v2;
	v4 =	vadd.s32 v1, v4;
	_ =	sdelay $0x1  }
0x292: {  	v3 =	vadd.s32 v1, v3;
	_ =	sdelay $0x1  }
0x293: {  	s8 =	simm.s32 $0x4100  }
0x294: {  	[tilespmem:s8], [sflag:$0x1] =	stream.indirect_vreg.gather [hbm4b:s1+s3], $0x80, v4, vm0, $0xb8;
	[tilespmem:$0x10100] =	vst v63  }
0x295: {  	s15 =	simm.s32 $0x4900  }
0x296: {  	[tilespmem:s15], [sflag:$0x1] =	stream.indirect_vreg.gather [hbm4b:s1+s3], $0x80, v3, vm0, $0xb8;
	[tilespmem:$0x10100] =	vst v63  }
0x297: {  	v3 =	vld [tilespmem:$0x50];
	_ =	sdelay $0x4  }
0x298: {  	v53 =	vshll.u32 v3, $0x1  }
0x299: {  	v3 =	vand.u32 $0x7, v3;
	v4 =	vand.u32 $0xFFFFFFF0, v53  }
0x29a: {  	v3 =	vor.u32 v3, v4  }
0x29b: {  	v4 =	vperm.xlane v3, v0;
	_ =	sdelay $0x1  }
0x29c: {  	v3 =	vperm.xlane v3, v2;
	v4 =	vadd.s32 v1, v4;
	_ =	sdelay $0x1  }
0x29d: {  	v3 =	vadd.s32 v1, v3;
	_ =	sdelay $0x1  }
0x29e: {  	s9 =	simm.s32 $0x5100  }
0x29f: {  	[tilespmem:s9], [sflag:$0x1] =	stream.indirect_vreg.gather [hbm4b:s1+s3], $0x80, v4, vm0, $0xb8;
	[tilespmem:$0x10100] =	vst v63  }
0x2a0: {  	s11 =	simm.s32 $0x5900  }
0x2a1: {  	[tilespmem:s11], [sflag:$0x1] =	stream.indirect_vreg.gather [hbm4b:s1+s3], $0x80, v3, vm0, $0xb8;
	[tilespmem:$0x10100] =	vst v63  }
0x2a2: {  	v3 =	vld [tilespmem:$0x60];
	_ =	sdelay $0x4  }
0x2a3: {  	v54 =	vshll.u32 v3, $0x1  }
0x2a4: {  	v3 =	vand.u32 $0x7, v3;
	v4 =	vand.u32 $0xFFFFFFF0, v54  }
0x2a5: {  	v3 =	vor.u32 v3, v4  }
0x2a6: {  	v4 =	vperm.xlane v3, v0;
	_ =	sdelay $0x1  }
0x2a7: {  	v3 =	vperm.xlane v3, v2;
	v4 =	vadd.s32 v1, v4;
	_ =	sdelay $0x1  }
0x2a8: {  	v3 =	vadd.s32 v1, v3;
	_ =	sdelay $0x1  }
0x2a9: {  	s18 =	simm.s32 $0x6100  }
0x2aa: {  	[tilespmem:s18], [sflag:$0x1] =	stream.indirect_vreg.gather [hbm4b:s1+s3], $0x80, v4, vm0, $0xb8;
	[tilespmem:$0x10100] =	vst v63  }
0x2ab: {  	s12 =	simm.s32 $0x6900  }
0x2ac: {  	[tilespmem:s12], [sflag:$0x1] =	stream.indirect_vreg.gather [hbm4b:s1+s3], $0x80, v3, vm0, $0xb8;
	[tilespmem:$0x10100] =	vst v63  }
0x2ad: {  	v3 =	vld [tilespmem:$0x70];
	_ =	sdelay $0x4  }
0x2ae: {  	v55 =	vshll.u32 v3, $0x1  }
0x2af: {  	v3 =	vand.u32 $0x7, v3;
	v4 =	vand.u32 $0xFFFFFFF0, v55  }
0x2b0: {  	v3 =	vor.u32 v3, v4  }
0x2b1: {  	v4 =	vperm.xlane v3, v0;
	_ =	sdelay $0x1  }
0x2b2: {  	v3 =	vperm.xlane v3, v2;
	v4 =	vadd.s32 v1, v4;
	_ =	sdelay $0x1  }
0x2b3: {  	v3 =	vadd.s32 v1, v3;
	_ =	sdelay $0x1  }
0x2b4: {  	s16 =	simm.s32 $0x7100  }
0x2b5: {  	[tilespmem:s16], [sflag:$0x1] =	stream.indirect_vreg.gather [hbm4b:s1+s3], $0x80, v4, vm0, $0xb8;
	[tilespmem:$0x10100] =	vst v63  }
0x2b6: {  	s17 =	simm.s32 $0x7900  }
0x2b7: {  	[tilespmem:s17], [sflag:$0x1] =	stream.indirect_vreg.gather [hbm4b:s1+s3], $0x80, v3, vm0, $0xb8;
	[tilespmem:$0x10100] =	vst v63  }
0x2b8: {  	_ =	swait.ge [sflag:s14], $0x8000  }
0x2b9: {  	[sflag:s14] =	ssyncset.done $0x0  }
0x2ba: {  	s20 =	rddreg [dreg:$0x10];
	[sflag:s14] =	ssyncadd.s32 $0xFFFF8000  }
0x2bb: {  	[hbm4b:s20+s3] =	stream.linear.scatter [tilespmem:s23], [sflag:$0x3], $0x8000, $0x38;
	[tilespmem:$0x10100] =	vst v63  }
0x2bc: {  	_ =	swait.ge [sflag:s5], $0x8000  }
0x2bd: {  	[sflag:s5] =	ssyncset.done $0x0  }
0x2be: {  	s2 =	simm.s32 $0x80;
	s22 =	rddreg [dreg:$0x11];
	[sflag:s5] =	ssyncadd.s32 $0xFFFF8000  }
0x2bf: {  	[tilespmem:s2], [sflag:$0x3] =	stream.linear.gather [hbm4b:s22+s3], $0x80, $0x38;
	[tilespmem:$0x10100] =	vst v63  }
0x2c0: {  	_ =	swait.ge [sflag:s5], $0x80  }
0x2c1: {  	[sflag:s5] =	ssyncset.done $0x0  }
0x2c2: {  	[sflag:s5] =	ssyncadd.s32 $0xFFFFFF80  }
0x2c3: {  	v3 =	vld [tilespmem:$0x80];
	_ =	sdelay $0x4  }
0x2c4: {  	v56 =	vshll.u32 v3, $0x1  }
0x2c5: {  	v3 =	vand.u32 $0x7, v3;
	v4 =	vand.u32 $0xFFFFFFF0, v56  }
0x2c6: {  	v3 =	vor.u32 v3, v4  }
0x2c7: {  	v4 =	vperm.xlane v3, v0;
	_ =	sdelay $0x1  }
0x2c8: {  	v3 =	vperm.xlane v3, v2;
	v4 =	vadd.s32 v1, v4;
	_ =	sdelay $0x1  }
0x2c9: {  	v3 =	vadd.s32 v1, v3;
	_ =	sdelay $0x2  }
0x2ca: {  	[tilespmem:s23], [sflag:$0x2] =	stream.indirect_vreg.gather [hbm4b:s1+s3], $0x80, v4, vm0, $0xb8;
	[tilespmem:$0x10100] =	vst v63  }
0x2cb: {  	s6 =	simm.s32 $0x8900  }
0x2cc: {  	[tilespmem:s6], [sflag:$0x2] =	stream.indirect_vreg.gather [hbm4b:s1+s3], $0x80, v3, vm0, $0xb8;
	[tilespmem:$0x10100] =	vst v63  }
0x2cd: {  	v3 =	vld [tilespmem:$0x90];
	_ =	sdelay $0x4  }
0x2ce: {  	v57 =	vshll.u32 v3, $0x1  }
0x2cf: {  	v3 =	vand.u32 $0x7, v3;
	v4 =	vand.u32 $0xFFFFFFF0, v57  }
0x2d0: {  	v3 =	vor.u32 v3, v4  }
0x2d1: {  	v4 =	vperm.xlane v3, v0;
	_ =	sdelay $0x1  }
0x2d2: {  	v3 =	vperm.xlane v3, v2;
	v4 =	vadd.s32 v1, v4;
	_ =	sdelay $0x1  }
0x2d3: {  	v3 =	vadd.s32 v1, v3;
	_ =	sdelay $0x1  }
0x2d4: {  	s0 =	simm.s32 $0x9100  }
0x2d5: {  	[tilespmem:s0], [sflag:$0x2] =	stream.indirect_vreg.gather [hbm4b:s1+s3], $0x80, v4, vm0, $0xb8;
	[tilespmem:$0x10100] =	vst v63  }
0x2d6: {  	s7 =	simm.s32 $0x9900  }
0x2d7: {  	[tilespmem:s7], [sflag:$0x2] =	stream.indirect_vreg.gather [hbm4b:s1+s3], $0x80, v3, vm0, $0xb8;
	[tilespmem:$0x10100] =	vst v63  }
0x2d8: {  	v3 =	vld [tilespmem:$0xA0];
	_ =	sdelay $0x4  }
0x2d9: {  	v58 =	vshll.u32 v3, $0x1  }
0x2da: {  	v3 =	vand.u32 $0x7, v3;
	v4 =	vand.u32 $0xFFFFFFF0, v58  }
0x2db: {  	v3 =	vor.u32 v3, v4  }
0x2dc: {  	v4 =	vperm.xlane v3, v0;
	_ =	sdelay $0x1  }
0x2dd: {  	v3 =	vperm.xlane v3, v2;
	v4 =	vadd.s32 v1, v4;
	_ =	sdelay $0x1  }
0x2de: {  	v3 =	vadd.s32 v1, v3;
	_ =	sdelay $0x1  }
0x2df: {  	s26 =	simm.s32 $0xA100  }
0x2e0: {  	[tilespmem:s26], [sflag:$0x2] =	stream.indirect_vreg.gather [hbm4b:s1+s3], $0x80, v4, vm0, $0xb8;
	[tilespmem:$0x10100] =	vst v63  }
0x2e1: {  	s10 =	simm.s32 $0xA900  }
0x2e2: {  	[tilespmem:s10], [sflag:$0x2] =	stream.indirect_vreg.gather [hbm4b:s1+s3], $0x80, v3, vm0, $0xb8;
	[tilespmem:$0x10100] =	vst v63  }
0x2e3: {  	v3 =	vld [tilespmem:$0xB0];
	_ =	sdelay $0x4  }
0x2e4: {  	v59 =	vshll.u32 v3, $0x1  }
0x2e5: {  	v3 =	vand.u32 $0x7, v3;
	v4 =	vand.u32 $0xFFFFFFF0, v59  }
0x2e6: {  	v3 =	vor.u32 v3, v4  }
0x2e7: {  	v4 =	vperm.xlane v3, v0;
	_ =	sdelay $0x1  }
0x2e8: {  	v3 =	vperm.xlane v3, v2;
	v4 =	vadd.s32 v1, v4;
	_ =	sdelay $0x1  }
0x2e9: {  	v3 =	vadd.s32 v1, v3;
	_ =	sdelay $0x1  }
0x2ea: {  	s25 =	simm.s32 $0xB100  }
0x2eb: {  	[tilespmem:s25], [sflag:$0x2] =	stream.indirect_vreg.gather [hbm4b:s1+s3], $0x80, v4, vm0, $0xb8;
	[tilespmem:$0x10100] =	vst v63  }
0x2ec: {  	s28 =	simm.s32 $0xB900  }
0x2ed: {  	[tilespmem:s28], [sflag:$0x2] =	stream.indirect_vreg.gather [hbm4b:s1+s3], $0x80, v3, vm0, $0xb8;
	[tilespmem:$0x10100] =	vst v63  }
0x2ee: {  	v3 =	vld [tilespmem:$0xC0];
	_ =	sdelay $0x4  }
0x2ef: {  	v60 =	vshll.u32 v3, $0x1  }
0x2f0: {  	v3 =	vand.u32 $0x7, v3;
	v4 =	vand.u32 $0xFFFFFFF0, v60  }
0x2f1: {  	v3 =	vor.u32 v3, v4  }
0x2f2: {  	v4 =	vperm.xlane v3, v0;
	_ =	sdelay $0x1  }
0x2f3: {  	v3 =	vperm.xlane v3, v2;
	v4 =	vadd.s32 v1, v4;
	_ =	sdelay $0x1  }
0x2f4: {  	v3 =	vadd.s32 v1, v3;
	_ =	sdelay $0x1  }
0x2f5: {  	s30 =	simm.s32 $0xC100  }
0x2f6: {  	[tilespmem:s30], [sflag:$0x2] =	stream.indirect_vreg.gather [hbm4b:s1+s3], $0x80, v4, vm0, $0xb8;
	[tilespmem:$0x10100] =	vst v63  }
0x2f7: {  	s31 =	simm.s32 $0xC900  }
0x2f8: {  	[tilespmem:s31], [sflag:$0x2] =	stream.indirect_vreg.gather [hbm4b:s1+s3], $0x80, v3, vm0, $0xb8;
	[tilespmem:$0x10100] =	vst v63  }
0x2f9: {  	v3 =	vld [tilespmem:$0xD0];
	_ =	sdelay $0x4  }
0x2fa: {  	v61 =	vshll.u32 v3, $0x1  }
0x2fb: {  	v3 =	vand.u32 $0x7, v3;
	v4 =	vand.u32 $0xFFFFFFF0, v61  }
0x2fc: {  	v3 =	vor.u32 v3, v4  }
0x2fd: {  	v4 =	vperm.xlane v3, v0;
	_ =	sdelay $0x1  }
0x2fe: {  	v3 =	vperm.xlane v3, v2;
	v4 =	vadd.s32 v1, v4;
	_ =	sdelay $0x1  }
0x2ff: {  	v3 =	vadd.s32 v1, v3;
	_ =	sdelay $0x1  }
0x300: {  	s19 =	simm.s32 $0xD100  }
0x301: {  	[tilespmem:s19], [sflag:$0x2] =	stream.indirect_vreg.gather [hbm4b:s1+s3], $0x80, v4, vm0, $0xb8;
	[tilespmem:$0x10100] =	vst v63  }
0x302: {  	s25 =	simm.s32 $0xD900  }
0x303: {  	[tilespmem:s25], [sflag:$0x2] =	stream.indirect_vreg.gather [hbm4b:s1+s3], $0x80, v3, vm0, $0xb8;
	[tilespmem:$0x10100] =	vst v63  }
0x304: {  	v3 =	vld [tilespmem:$0xE0];
	_ =	sdelay $0x4  }
0x305: {  	v62 =	vshll.u32 v3, $0x1  }
0x306: {  	v3 =	vand.u32 $0x7, v3;
	v4 =	vand.u32 $0xFFFFFFF0, v62  }
0x307: {  	v3 =	vor.u32 v3, v4  }
0x308: {  	v4 =	vperm.xlane v3, v0;
	_ =	sdelay $0x1  }
0x309: {  	v3 =	vperm.xlane v3, v2;
	v4 =	vadd.s32 v1, v4;
	_ =	sdelay $0x1  }
0x30a: {  	v3 =	vadd.s32 v1, v3;
	_ =	sdelay $0x1  }
0x30b: {  	s21 =	simm.s32 $0xE100  }
0x30c: {  	[tilespmem:s21], [sflag:$0x2] =	stream.indirect_vreg.gather [hbm4b:s1+s3], $0x80, v4, vm0, $0xb8;
	[tilespmem:$0x10100] =	vst v63  }
0x30d: {  	s26 =	simm.s32 $0xE900  }
0x30e: {  	[tilespmem:s26], [sflag:$0x2] =	stream.indirect_vreg.gather [hbm4b:s1+s3], $0x80, v3, vm0, $0xb8;
	[tilespmem:$0x10100] =	vst v63  }
0x30f: {  	v3 =	vld [tilespmem:$0xF0];
	_ =	sdelay $0x4  }
0x310: {  	v63 =	vshll.u32 v3, $0x1  }
0x311: {  	v3 =	vand.u32 $0x7, v3;
	v4 =	vand.u32 $0xFFFFFFF0, v63  }
0x312: {  	v3 =	vor.u32 v3, v4  }
0x313: {  	v4 =	vperm.xlane v3, v0;
	_ =	sdelay $0x1  }
0x314: {  	v3 =	vperm.xlane v3, v2;
	v4 =	vadd.s32 v1, v4;
	_ =	sdelay $0x1  }
0x315: {  	v3 =	vadd.s32 v1, v3;
	_ =	sdelay $0x1  }
0x316: {  	s24 =	simm.s32 $0xF100  }
0x317: {  	[tilespmem:s24], [sflag:$0x2] =	stream.indirect_vreg.gather [hbm4b:s1+s3], $0x80, v4, vm0, $0xb8;
	[tilespmem:$0x10100] =	vst v63  }
0x318: {  	s28 =	simm.s32 $0xF900  }
0x319: {  	[tilespmem:s28], [sflag:$0x2] =	stream.indirect_vreg.gather [hbm4b:s1+s3], $0x80, v3, vm0, $0xb8;
	[tilespmem:$0x10100] =	vst v63  }
0x31a: {  	_ =	swait.ge [sflag:s13], $0x8000  }
0x31b: {  	[sflag:s13] =	ssyncset.done $0x0  }
0x31c: {  	s30 =	rddreg [dreg:$0x12];
	[sflag:s13] =	ssyncadd.s32 $0xFFFF8000  }
0x31d: {  	[hbm4b:s30+s3] =	stream.linear.scatter [tilespmem:s29], [sflag:$0x3], $0x8000, $0x38;
	[tilespmem:$0x10100] =	vst v63  }
0x31e: {  	_ =	swait.ge [sflag:s5], $0x8000  }
0x31f: {  	[sflag:s5] =	ssyncset.done $0x0  }
0x320: {  	[sflag:s5] =	ssyncadd.s32 $0xFFFF8000  }
0x321: {  	_ =	swait.ge [sflag:s14], $0x8000  }
0x322: {  	p0 =	sne.s32 s4, $0x1;
	[sflag:s14] =	ssyncset.done $0x0  }
.Ltmp0:
0x323: {  	s31 =	rddreg [dreg:$0x13];
	[sflag:s14] =	ssyncadd.s32 $0xFFFF8000;
	(pc) =	sbr.rel @p0 .LBB2_1-.Ltmp0, $4  }
0x324: {  	[hbm4b:s31+s3] =	stream.linear.scatter [tilespmem:s23], [sflag:$0x3], $0x8000, $0x38;
	[tilespmem:$0x10100] =	vst v63  }
0x325: {  	_ =	swait.ge [sflag:s5], $0x8000  }
0x326: {  	[sflag:s5] =	ssyncset.done $0x0  }
0x327: {  	s4 =	sadd.s32 $0xFFFFFFFF, s4;
	[sflag:s5] =	ssyncadd.s32 $0xFFFF8000  }
0x328: {  	_ =	sfence.sel $0x180000  }
0x329: {  	[bflag:$0x0] =	sbarrier.arrive $0xFFFF  }
0x32a: {  	_ =	strace $0x90000047  }
0x32b: {  	s0 =	stileid.u32;
	[bflag:$0x2] =	sbarrier.arrive $0xFFFF  }
0x32c: {  	p0 =	sne.s32 s0, $0x0;
	s0 =	rddreg [dreg:$0x3]  }
0x32d: {  	s0 =	sadd.s32 @!p0 $0x100000, s0  }
0x32e: {  	[sflag:s0] =	ssyncadd.tile.s32 @!p0 $0x1;
	_ =	shalt  }
.Lfunc_end2:
_tile_overlayer_lowered:
.L_overlay_start_2:
0x32f: {  	(tag) =	ssettag $0x2  }
0x330: {  	s0 =	rddreg [dreg:$0x0];
	s2 =	stileid.u32  }
0x331: {  	s1 =	rddreg [dreg:$0x1];
	p0 =	sne.s32 s2, $0x0  }
0x332: {  	s3 =	rddreg [dreg:$0x2];
	[bflag:$0x3] =	sbarrier.arrive $0xFFFF;
	s2 =	simm.s32 @!p0 $0x1C03  }
0x333: {  	[timem:s3], [sflag:s2] =	dma.local @!p0 [hbm:s0], s1  }
0x334: {  	s0 =	simm.s32 @!p0 $0x3  }
0x335: {  	_ =	swait.ge @!p0 [sflag:s0], s1  }
0x336: {  	s1 =	ssub.s32 @!p0 $0x0, s1;
	[sflag:s0] =	ssyncset.done @!p0 $0x0  }
0x337: {  	[sflag:s0] =	ssyncadd.s32 @!p0 s1  }
0x338: {  	[bflag:$0x3] =	sbarrier.arrive $0xFFFF  }
0x339: {  	_ =	shalt  }

</sc_bundles>
